<compile_context>
chip_gen: v7x
topology: tpu7x:2x2x1
jax: 0.10.2.dev20260603
libtpu: 0.0.44.dev20260713+nightly
codegen_flags: <defaults>
</compile_context>

<pallas_src>
import functools

import jax
import jax.numpy as jnp
from jax import lax
from jax.experimental import pallas as pl
from jax.experimental.pallas import tpu as pltpu
from jax.experimental.pallas import tpu_sc as plsc

N_NODES = 10000
D = 128
NPAD = 10240
NC, NS = 2, 16
NW = NC * NS
CHUNK = 128
NCH = 79
EPT = NCH * CHUNK
EPAD = NW * EPT
RPT = NPAD // NS
DEGW = 128


@functools.cache
def _sc_kernels():
    mesh = plsc.VectorSubcoreMesh(core_axis_name="c", subcore_axis_name="s")

    @functools.partial(
        pl.kernel,
        mesh=mesh,
        out_type=jax.ShapeDtypeStruct((NC, NPAD, D), jnp.float32),
        scratch_types=[
            pltpu.VMEM((NCH, CHUNK), jnp.int32),
            pltpu.VMEM((CHUNK, D), jnp.float32),
            pltpu.VMEM_SHARED((NPAD, D), jnp.float32),
            pltpu.SemaphoreType.DMA,
        ],
    )
    def sc_deg(dst_hbm, ones_hbm, zeros_hbm, out_hbm, dst_idx, ones_v,
               acc, sem):
        c = lax.axis_index("c")
        s = lax.axis_index("s")
        wid = c * NS + s
        pltpu.sync_copy(zeros_hbm, acc.at[pl.ds(s * RPT, RPT)])
        pltpu.sync_copy(ones_hbm, ones_v)
        pltpu.sync_copy(dst_hbm.at[wid], dst_idx)
        plsc.subcore_barrier()

        def body(j, carry):
            pltpu.sync_copy(ones_v, acc.at[dst_idx.at[j]], add=True)
            return carry

        lax.fori_loop(0, NCH, body, 0)
        plsc.subcore_barrier()
        pltpu.sync_copy(acc.at[pl.ds(s * RPT, RPT)],
                        out_hbm.at[c, pl.ds(s * RPT, RPT)])

    @functools.partial(
        pl.kernel,
        mesh=mesh,
        out_type=jax.ShapeDtypeStruct((NC, NPAD, D), jnp.float32),
        scratch_types=[
            pltpu.VMEM((NCH, CHUNK), jnp.int32),
            pltpu.VMEM((NCH, CHUNK), jnp.int32),
            pltpu.VMEM((CHUNK, D), jnp.float32),
            pltpu.VMEM_SHARED((NPAD, D), jnp.float32),
            pltpu.SemaphoreType.DMA,
        ],
    )
    def sc_msg(y_hbm, src_hbm, dst_hbm, zeros_hbm, out_hbm,
               src_idx, dst_idx, rows_v, acc, sem):
        c = lax.axis_index("c")
        s = lax.axis_index("s")
        wid = c * NS + s
        pltpu.sync_copy(zeros_hbm, acc.at[pl.ds(s * RPT, RPT)])
        pltpu.sync_copy(src_hbm.at[wid], src_idx)
        pltpu.sync_copy(dst_hbm.at[wid], dst_idx)
        plsc.subcore_barrier()

        def body(j, carry):
            pltpu.async_copy(y_hbm.at[src_idx.at[j]], rows_v, sem).wait()
            pltpu.sync_copy(rows_v, acc.at[dst_idx.at[j]], add=True)
            return carry

        lax.fori_loop(0, NCH, body, 0)
        plsc.subcore_barrier()
        pltpu.sync_copy(acc.at[pl.ds(s * RPT, RPT)],
                        out_hbm.at[c, pl.ds(s * RPT, RPT)])

    return sc_deg, sc_msg



def _dinv_block(degp_ref):
    deg = degp_ref[0, :, 0:1] + degp_ref[1, :, 0:1] + 1.0
    return lax.rsqrt(deg)


def _tc_mm1_body(x_ref, w_ref, degp_ref, y_ref):
    dinv = _dinv_block(degp_ref)
    y_ref[...] = jnp.dot(x_ref[...], w_ref[...],
                         preferred_element_type=jnp.float32) * dinv


def _tc_combine_body(p_ref, y1_ref, degp_ref, b1_ref, w2_ref, h1_ref, y2_ref):
    dinv = _dinv_block(degp_ref)
    h1 = dinv * (p_ref[0] + p_ref[1] + y1_ref[...]) + b1_ref[...]
    h1_ref[...] = h1
    x2 = jnp.maximum(h1, 0.0)
    y2_ref[...] = jnp.dot(x2, w2_ref[...],
                          preferred_element_type=jnp.float32) * dinv


def _tc_final_body(q_ref, y2_ref, degp_ref, b2_ref, h2_ref):
    dinv = _dinv_block(degp_ref)
    h2_ref[...] = dinv * (q_ref[0] + q_ref[1] + y2_ref[...]) + b2_ref[...]


_ROW = lambda i: (i, 0)
_FULL = lambda i: (0, 0)
_P3 = lambda i: (0, i, 0)

_row_spec = pl.BlockSpec((CHUNK, D), _ROW)
_w_spec = pl.BlockSpec((D, D), _FULL)
_degp_spec = pl.BlockSpec((NC, CHUNK, DEGW), _P3)
_p_spec = pl.BlockSpec((NC, CHUNK, D), _P3)
_b_spec = pl.BlockSpec((1, D), _FULL)
_GRID = NPAD // CHUNK

_tc_mm1 = pl.pallas_call(
    _tc_mm1_body,
    grid=(_GRID,),
    in_specs=[_row_spec, _w_spec, _degp_spec],
    out_specs=_row_spec,
    out_shape=jax.ShapeDtypeStruct((NPAD, D), jnp.float32),
)

_tc_combine = pl.pallas_call(
    _tc_combine_body,
    grid=(_GRID,),
    in_specs=[_p_spec, _row_spec, _degp_spec, _b_spec, _w_spec],
    out_specs=[_row_spec, _row_spec],
    out_shape=[jax.ShapeDtypeStruct((NPAD, D), jnp.float32),
               jax.ShapeDtypeStruct((NPAD, D), jnp.float32)],
)

_tc_final = pl.pallas_call(
    _tc_final_body,
    grid=(_GRID,),
    in_specs=[_p_spec, _row_spec, _degp_spec, _b_spec],
    out_specs=_row_spec,
    out_shape=jax.ShapeDtypeStruct((NPAD, D), jnp.float32),
)



def kernel(indices, edge_index, rel_index, emb, W1, b1, W2, b2):
    x = jnp.take(emb, indices, axis=0)
    x_pad = jnp.pad(x, ((0, NPAD - N_NODES), (0, 0)))

    src = edge_index[0].astype(jnp.int32)
    dst = edge_index[1].astype(jnp.int32)
    pad_len = EPAD - src.shape[0]
    fill = (jnp.arange(pad_len, dtype=jnp.int32) % (NPAD - N_NODES)) + N_NODES
    src3 = jnp.concatenate([src, fill]).reshape(NW, NCH, CHUNK)
    dst3 = jnp.concatenate([dst, fill]).reshape(NW, NCH, CHUNK)

    onesD = jnp.ones((CHUNK, D), jnp.float32)
    zerosD = jnp.zeros((RPT, D), jnp.float32)

    sc_deg, sc_msg = _sc_kernels()
    degp = sc_deg(dst3, onesD, zerosD)
    y1 = _tc_mm1(x_pad, W1, degp)
    p = sc_msg(y1, src3, dst3, zerosD)
    h1f, y2 = _tc_combine(p, y1, degp, b1.reshape(1, D), W2)
    q = sc_msg(y2, src3, dst3, zerosD)
    h2f = _tc_final(q, y2, degp, b2.reshape(1, D))

    return (h1f[:N_NODES], h2f[:N_NODES])

# --- scband reference (transcript-rebuilt; emitter-appended) ---
"""Pipeline reference for scband-graph-encoder-51531017617468 (READ-ONLY COPY).

The authoritative reference and input builder live on the scoring server;
editing this copy changes nothing except your own understanding.
"""

import jax, jax.numpy as jnp
import numpy as np

N_NODES = 10000
N_EDGES = 320000
D_IN = 128
D_HID = 128
D_OUT = 128


def setup_inputs(seed: int = 0) -> dict:
    key = jax.random.key(seed)
    k_ei, k_rel, k_emb, k_w1, k_b1, k_w2, k_b2 = [jax.random.fold_in(key, i) for i in range(7)]
    indices = jnp.arange(N_NODES, dtype=jnp.int64) if jax.config.read('jax_enable_x64') else jnp.arange(N_NODES, dtype=jnp.int32)
    edge_index = jax.random.randint(k_ei, (2, N_EDGES), 0, N_NODES)
    rel_index = jax.random.randint(k_rel, (N_EDGES,), 0, 16)
    emb = jax.random.normal(k_emb, (N_NODES, D_IN), dtype=jnp.float32)
    # Glorot-style init for GCN weights
    W1 = jax.random.normal(k_w1, (D_IN, D_HID), dtype=jnp.float32) * (1.0 / np.sqrt(D_IN))
    b1 = jnp.zeros((D_HID,), dtype=jnp.float32)
    W2 = jax.random.normal(k_w2, (D_HID, D_OUT), dtype=jnp.float32) * (1.0 / np.sqrt(D_HID))
    b2 = jnp.zeros((D_OUT,), dtype=jnp.float32)
    return {"indices": indices, "edge_index": edge_index, "rel_index": rel_index,
            "emb": emb, "W1": W1, "b1": b1, "W2": W2, "b2": b2}


def _gcn_conv(x, src, dst, W, b, n_nodes):
    # x' = D^{-1/2} (A + I) D^{-1/2} X W + b  (torch_geometric GCNConv default)
    loop = jnp.arange(n_nodes)
    s = jnp.concatenate([src, loop])
    d = jnp.concatenate([dst, loop])
    xw = x @ W
    deg = jnp.zeros((n_nodes,), dtype=x.dtype).at[d].add(1.0)
    dinv = jnp.where(deg > 0, jax.lax.rsqrt(deg), 0.0)
    norm = dinv[s] * dinv[d]
    msg = xw[s] * norm[:, None]
    out = jnp.zeros((n_nodes, W.shape[1]), dtype=x.dtype).at[d].add(msg)
    return out + b


def reference(indices, edge_index, rel_index, emb, W1, b1, W2, b2):
    src, dst = edge_index[0], edge_index[1]
    x = jnp.take(emb, indices, axis=0)
    h1 = _gcn_conv(x, src, dst, W1, b1, N_NODES)
    x = jax.nn.relu(h1)
    h2 = _gcn_conv(x, src, dst, W2, b2, N_NODES)
    return (h1, h2)

if __name__ == "__main__":
    import jax
    _d = setup_inputs()
    print(jax.jit(kernel)(*tuple(_d.values())))

</pallas_src>

<mosaic_0001>
#map = affine_map<(d0, d1) -> (0, 0)>
#map1 = affine_map<(d0, d1) -> (0, 0, 0)>
module attributes {stable_mosaic.version = 14 : i64} {
  func.func @sc_msg(%arg0: i32, %arg1: i32, %arg2: memref<10240x128xf32, #tpu.memory_space<hbm>>, %arg3: memref<32x79x128xi32, #tpu.memory_space<hbm>>, %arg4: memref<32x79x128xi32, #tpu.memory_space<hbm>>, %arg5: memref<640x128xf32, #tpu.memory_space<hbm>>, %arg6: memref<2x10240x128xf32, #tpu.memory_space<hbm>>, %arg7: memref<79x128xi32, #tpu.memory_space<vmem>>, %arg8: memref<79x128xi32, #tpu.memory_space<vmem>>, %arg9: memref<128x128xf32, #tpu.memory_space<vmem>>, %arg10: memref<10240x128xf32, #tpu.memory_space<vmem_shared>>, %arg11: memref<!tpu.dma_semaphore, #tpu.memory_space<semaphore_mem>>) attributes {dimension_semantics = [#tpu.dimension_semantics<core_parallel>, #tpu.dimension_semantics<subcore_parallel>], iteration_bounds = array<i64: 2, 16>, scalar_prefetch = 0 : i64, scratch_operands = 5 : i64, tpu.core_type = #tpu.core_type<sc_vector_subcore>, window_params = [{transform_indices = #map}, {transform_indices = #map1}, {transform_indices = #map1}, {transform_indices = #map}, {transform_indices = #map1}]} {
    %mul3A = arith.constant 16 : i32
    %mul3A_0 = arith.muli %arg0, %mul3A : i32
    %add3A = arith.addi %mul3A_0, %arg1 : i32
    %mul3A_1 = arith.constant 640 : i32
    %mul3A_2 = arith.muli %arg1, %mul3A_1 : i32
    "tpu.region"() ({
      %run_scoped3A = tpu.sem_alloc : memref<!tpu.dma_semaphore, #tpu.memory_space<semaphore_mem>>
      %dma_start3A = arith.constant 0 : i32
      %dma_start3A_13 = tpu.memref_slice %arg10[%mul3A_2, %dma_start3A] : memref<10240x128xf32, #tpu.memory_space<vmem_shared>> -> memref<640x128xf32, #tpu.memory_space<vmem_shared>>
      tpu.enqueue_dma source(%arg5 : memref<640x128xf32, #tpu.memory_space<hbm>>) target(%dma_start3A_13 : memref<640x128xf32, #tpu.memory_space<vmem_shared>>) target_semaphore(%run_scoped3A : memref<!tpu.dma_semaphore, #tpu.memory_space<semaphore_mem>>)
      %dma_wait3A = arith.constant 0 : i32
      %dma_wait3A_14 = tpu.memref_slice %arg10[%mul3A_2, %dma_wait3A] : memref<10240x128xf32, #tpu.memory_space<vmem_shared>> -> memref<640x128xf32, #tpu.memory_space<vmem_shared>>
      tpu.wait_dma2 semaphore(%run_scoped3A : memref<!tpu.dma_semaphore, #tpu.memory_space<semaphore_mem>>) src(%arg5 : memref<640x128xf32, #tpu.memory_space<hbm>>) dst(%dma_wait3A_14 : memref<640x128xf32, #tpu.memory_space<vmem_shared>>)
      tpu.yield
    }) : () -> ()
    "tpu.region"() ({
      %run_scoped3A = tpu.sem_alloc : memref<!tpu.dma_semaphore, #tpu.memory_space<semaphore_mem>>
      %dma_start3A = arith.constant 0 : i32
      %dma_start3A_13 = arith.constant 0 : i32
      %dma_start3A_14 = tpu.memref_slice %arg3[%add3A, %dma_start3A, %dma_start3A_13] : memref<32x79x128xi32, #tpu.memory_space<hbm>> -> memref<1x79x128xi32, #tpu.memory_space<hbm>>
      %dma_start3A_15 = tpu.memref_squeeze %dma_start3A_14 : memref<1x79x128xi32, #tpu.memory_space<hbm>> -> memref<79x128xi32, #tpu.memory_space<hbm>>
      %dma_start3A_16 = arith.constant 0 : i32
      %dma_start3A_17 = arith.constant 0 : i32
      %dma_start3A_18 = tpu.memref_slice %arg3[%add3A, %dma_start3A_16, %dma_start3A_17] : memref<32x79x128xi32, #tpu.memory_space<hbm>> -> memref<1x79x128xi32, #tpu.memory_space<hbm>>
      %dma_start3A_19 = tpu.memref_squeeze %dma_start3A_18 : memref<1x79x128xi32, #tpu.memory_space<hbm>> -> memref<79x128xi32, #tpu.memory_space<hbm>>
      tpu.enqueue_dma source(%dma_start3A_19 : memref<79x128xi32, #tpu.memory_space<hbm>>) target(%arg7 : memref<79x128xi32, #tpu.memory_space<vmem>>) target_semaphore(%run_scoped3A : memref<!tpu.dma_semaphore, #tpu.memory_space<semaphore_mem>>)
      %dma_wait3A = arith.constant 0 : i32
      %dma_wait3A_20 = arith.constant 0 : i32
      %dma_wait3A_21 = tpu.memref_slice %arg3[%add3A, %dma_wait3A, %dma_wait3A_20] : memref<32x79x128xi32, #tpu.memory_space<hbm>> -> memref<1x79x128xi32, #tpu.memory_space<hbm>>
      %dma_wait3A_22 = tpu.memref_squeeze %dma_wait3A_21 : memref<1x79x128xi32, #tpu.memory_space<hbm>> -> memref<79x128xi32, #tpu.memory_space<hbm>>
      %dma_wait3A_23 = arith.constant 0 : i32
      %dma_wait3A_24 = arith.constant 0 : i32
      %dma_wait3A_25 = tpu.memref_slice %arg3[%add3A, %dma_wait3A_23, %dma_wait3A_24] : memref<32x79x128xi32, #tpu.memory_space<hbm>> -> memref<1x79x128xi32, #tpu.memory_space<hbm>>
      %dma_wait3A_26 = tpu.memref_squeeze %dma_wait3A_25 : memref<1x79x128xi32, #tpu.memory_space<hbm>> -> memref<79x128xi32, #tpu.memory_space<hbm>>
      tpu.wait_dma2 semaphore(%run_scoped3A : memref<!tpu.dma_semaphore, #tpu.memory_space<semaphore_mem>>) src(%dma_wait3A_26 : memref<79x128xi32, #tpu.memory_space<hbm>>) dst(%arg7 : memref<79x128xi32, #tpu.memory_space<vmem>>)
      tpu.yield
    }) : () -> ()
    "tpu.region"() ({
      %run_scoped3A = tpu.sem_alloc : memref<!tpu.dma_semaphore, #tpu.memory_space<semaphore_mem>>
      %dma_start3A = arith.constant 0 : i32
      %dma_start3A_13 = arith.constant 0 : i32
      %dma_start3A_14 = tpu.memref_slice %arg4[%add3A, %dma_start3A, %dma_start3A_13] : memref<32x79x128xi32, #tpu.memory_space<hbm>> -> memref<1x79x128xi32, #tpu.memory_space<hbm>>
      %dma_start3A_15 = tpu.memref_squeeze %dma_start3A_14 : memref<1x79x128xi32, #tpu.memory_space<hbm>> -> memref<79x128xi32, #tpu.memory_space<hbm>>
      %dma_start3A_16 = arith.constant 0 : i32
      %dma_start3A_17 = arith.constant 0 : i32
      %dma_start3A_18 = tpu.memref_slice %arg4[%add3A, %dma_start3A_16, %dma_start3A_17] : memref<32x79x128xi32, #tpu.memory_space<hbm>> -> memref<1x79x128xi32, #tpu.memory_space<hbm>>
      %dma_start3A_19 = tpu.memref_squeeze %dma_start3A_18 : memref<1x79x128xi32, #tpu.memory_space<hbm>> -> memref<79x128xi32, #tpu.memory_space<hbm>>
      tpu.enqueue_dma source(%dma_start3A_19 : memref<79x128xi32, #tpu.memory_space<hbm>>) target(%arg8 : memref<79x128xi32, #tpu.memory_space<vmem>>) target_semaphore(%run_scoped3A : memref<!tpu.dma_semaphore, #tpu.memory_space<semaphore_mem>>)
      %dma_wait3A = arith.constant 0 : i32
      %dma_wait3A_20 = arith.constant 0 : i32
      %dma_wait3A_21 = tpu.memref_slice %arg4[%add3A, %dma_wait3A, %dma_wait3A_20] : memref<32x79x128xi32, #tpu.memory_space<hbm>> -> memref<1x79x128xi32, #tpu.memory_space<hbm>>
      %dma_wait3A_22 = tpu.memref_squeeze %dma_wait3A_21 : memref<1x79x128xi32, #tpu.memory_space<hbm>> -> memref<79x128xi32, #tpu.memory_space<hbm>>
      %dma_wait3A_23 = arith.constant 0 : i32
      %dma_wait3A_24 = arith.constant 0 : i32
      %dma_wait3A_25 = tpu.memref_slice %arg4[%add3A, %dma_wait3A_23, %dma_wait3A_24] : memref<32x79x128xi32, #tpu.memory_space<hbm>> -> memref<1x79x128xi32, #tpu.memory_space<hbm>>
      %dma_wait3A_26 = tpu.memref_squeeze %dma_wait3A_25 : memref<1x79x128xi32, #tpu.memory_space<hbm>> -> memref<79x128xi32, #tpu.memory_space<hbm>>
      tpu.wait_dma2 semaphore(%run_scoped3A : memref<!tpu.dma_semaphore, #tpu.memory_space<semaphore_mem>>) src(%dma_wait3A_26 : memref<79x128xi32, #tpu.memory_space<hbm>>) dst(%arg8 : memref<79x128xi32, #tpu.memory_space<vmem>>)
      tpu.yield
    }) : () -> ()
    %barrier3A = arith.constant 0 : index
    tpu.barrier barrier_id(%barrier3A)
    %scan3A = arith.constant 0 : i32
    %scan3A_3 = arith.constant 0 : i32
    %scan3A_4 = arith.constant 79 : i32
    %scan3A_5 = arith.addi %scan3A_3, %scan3A_4 : i32
    %scan3A_6 = arith.constant 1 : i32
    scf.for %scan3A_13 = %scan3A_3 to %scan3A_5 step %scan3A_6  : i32 {
      %dma_start3A = arith.constant 0 : i32
      %dma_start3A_14 = tpu.memref_slice %arg7[%scan3A_13, %dma_start3A] : memref<79x128xi32, #tpu.memory_space<vmem>> -> memref<1x128xi32, #tpu.memory_space<vmem>>
      %dma_start3A_15 = tpu.memref_squeeze %dma_start3A_14 : memref<1x128xi32, #tpu.memory_space<vmem>> -> memref<128xi32, #tpu.memory_space<vmem>>
      %dma_start3A_16 = arith.constant 0 : i32
      %dma_start3A_17 = arith.constant 0 : i32
      %dma_start3A_18 = tpu.memref_slice %arg2[%dma_start3A_16, %dma_start3A_17] : memref<10240x128xf32, #tpu.memory_space<hbm>> -> memref<10240x128xf32, #tpu.memory_space<hbm>>
      tpu.enqueue_indirect_dma source(%dma_start3A_18 : memref<10240x128xf32, #tpu.memory_space<hbm>>) target(%arg9 : memref<128x128xf32, #tpu.memory_space<vmem>>) offsets(%dma_start3A_15 : memref<128xi32, #tpu.memory_space<vmem>>) semaphore(%arg11 : memref<!tpu.dma_semaphore, #tpu.memory_space<semaphore_mem>>)
      %dma_wait3A = arith.constant 0 : i32
      %dma_wait3A_19 = tpu.memref_slice %arg7[%scan3A_13, %dma_wait3A] : memref<79x128xi32, #tpu.memory_space<vmem>> -> memref<1x128xi32, #tpu.memory_space<vmem>>
      %dma_wait3A_20 = tpu.memref_squeeze %dma_wait3A_19 : memref<1x128xi32, #tpu.memory_space<vmem>> -> memref<128xi32, #tpu.memory_space<vmem>>
      %dma_wait3A_21 = arith.constant 0 : i32
      %dma_wait3A_22 = arith.constant 0 : i32
      %dma_wait3A_23 = tpu.memref_slice %arg2[%dma_wait3A_21, %dma_wait3A_22] : memref<10240x128xf32, #tpu.memory_space<hbm>> -> memref<10240x128xf32, #tpu.memory_space<hbm>>
      tpu.wait_indirect_dma semaphore(%arg11 : memref<!tpu.dma_semaphore, #tpu.memory_space<semaphore_mem>>) src(%dma_wait3A_23 : memref<10240x128xf32, #tpu.memory_space<hbm>>) dst(%arg9 : memref<128x128xf32, #tpu.memory_space<vmem>>)
      "tpu.region"() ({
        %run_scoped3A = tpu.sem_alloc : memref<!tpu.dma_semaphore, #tpu.memory_space<semaphore_mem>>
        %dma_start3A_24 = arith.constant 0 : i32
        %dma_start3A_25 = tpu.memref_slice %arg8[%scan3A_13, %dma_start3A_24] : memref<79x128xi32, #tpu.memory_space<vmem>> -> memref<1x128xi32, #tpu.memory_space<vmem>>
        %dma_start3A_26 = tpu.memref_squeeze %dma_start3A_25 : memref<1x128xi32, #tpu.memory_space<vmem>> -> memref<128xi32, #tpu.memory_space<vmem>>
        %dma_start3A_27 = arith.constant 0 : i32
        %dma_start3A_28 = arith.constant 0 : i32
        %dma_start3A_29 = tpu.memref_slice %arg10[%dma_start3A_27, %dma_start3A_28] : memref<10240x128xf32, #tpu.memory_space<vmem_shared>> -> memref<10240x128xf32, #tpu.memory_space<vmem_shared>>
        tpu.enqueue_indirect_dma source(%arg9 : memref<128x128xf32, #tpu.memory_space<vmem>>) target(%dma_start3A_29 : memref<10240x128xf32, #tpu.memory_space<vmem_shared>>) offsets(%dma_start3A_26 : memref<128xi32, #tpu.memory_space<vmem>>) semaphore(%run_scoped3A : memref<!tpu.dma_semaphore, #tpu.memory_space<semaphore_mem>>) {add = true}
        %dma_wait3A_30 = arith.constant 0 : i32
        %dma_wait3A_31 = tpu.memref_slice %arg8[%scan3A_13, %dma_wait3A_30] : memref<79x128xi32, #tpu.memory_space<vmem>> -> memref<1x128xi32, #tpu.memory_space<vmem>>
        %dma_wait3A_32 = tpu.memref_squeeze %dma_wait3A_31 : memref<1x128xi32, #tpu.memory_space<vmem>> -> memref<128xi32, #tpu.memory_space<vmem>>
        %dma_wait3A_33 = arith.constant 0 : i32
        %dma_wait3A_34 = arith.constant 0 : i32
        %dma_wait3A_35 = tpu.memref_slice %arg10[%dma_wait3A_33, %dma_wait3A_34] : memref<10240x128xf32, #tpu.memory_space<vmem_shared>> -> memref<10240x128xf32, #tpu.memory_space<vmem_shared>>
        tpu.wait_indirect_dma semaphore(%run_scoped3A : memref<!tpu.dma_semaphore, #tpu.memory_space<semaphore_mem>>) src(%arg9 : memref<128x128xf32, #tpu.memory_space<vmem>>) dst(%dma_wait3A_35 : memref<10240x128xf32, #tpu.memory_space<vmem_shared>>)
        tpu.yield
      }) : () -> ()
    }
    %scan3A_7 = arith.constant 79 : i32
    %barrier3A_8 = arith.constant 0 : index
    tpu.barrier barrier_id(%barrier3A_8)
    %mul3A_9 = arith.constant 640 : i32
    %mul3A_10 = arith.muli %arg1, %mul3A_9 : i32
    %mul3A_11 = arith.constant 640 : i32
    %mul3A_12 = arith.muli %arg1, %mul3A_11 : i32
    "tpu.region"() ({
      %run_scoped3A = tpu.sem_alloc : memref<!tpu.dma_semaphore, #tpu.memory_space<semaphore_mem>>
      %dma_start3A = arith.constant 0 : i32
      %dma_start3A_13 = tpu.memref_slice %arg6[%arg0, %mul3A_12, %dma_start3A] : memref<2x10240x128xf32, #tpu.memory_space<hbm>> -> memref<1x640x128xf32, #tpu.memory_space<hbm>>
      %dma_start3A_14 = tpu.memref_squeeze %dma_start3A_13 : memref<1x640x128xf32, #tpu.memory_space<hbm>> -> memref<640x128xf32, #tpu.memory_space<hbm>>
      %dma_start3A_15 = arith.constant 0 : i32
      %dma_start3A_16 = tpu.memref_slice %arg10[%mul3A_10, %dma_start3A_15] : memref<10240x128xf32, #tpu.memory_space<vmem_shared>> -> memref<640x128xf32, #tpu.memory_space<vmem_shared>>
      tpu.enqueue_dma source(%dma_start3A_16 : memref<640x128xf32, #tpu.memory_space<vmem_shared>>) target(%dma_start3A_14 : memref<640x128xf32, #tpu.memory_space<hbm>>) target_semaphore(%run_scoped3A : memref<!tpu.dma_semaphore, #tpu.memory_space<semaphore_mem>>)
      %dma_wait3A = arith.constant 0 : i32
      %dma_wait3A_17 = tpu.memref_slice %arg6[%arg0, %mul3A_12, %dma_wait3A] : memref<2x10240x128xf32, #tpu.memory_space<hbm>> -> memref<1x640x128xf32, #tpu.memory_space<hbm>>
      %dma_wait3A_18 = tpu.memref_squeeze %dma_wait3A_17 : memref<1x640x128xf32, #tpu.memory_space<hbm>> -> memref<640x128xf32, #tpu.memory_space<hbm>>
      %dma_wait3A_19 = arith.constant 0 : i32
      %dma_wait3A_20 = tpu.memref_slice %arg10[%mul3A_10, %dma_wait3A_19] : memref<10240x128xf32, #tpu.memory_space<vmem_shared>> -> memref<640x128xf32, #tpu.memory_space<vmem_shared>>
      tpu.wait_dma2 semaphore(%run_scoped3A : memref<!tpu.dma_semaphore, #tpu.memory_space<semaphore_mem>>) src(%dma_wait3A_20 : memref<640x128xf32, #tpu.memory_space<vmem_shared>>) dst(%dma_wait3A_18 : memref<640x128xf32, #tpu.memory_space<hbm>>)
      tpu.yield
    }) : () -> ()
    return
  }
}

#map = affine_map<(d0, d1) -> (0, 0)>
#map1 = affine_map<(d0, d1) -> (0, 0, 0)>
module attributes {stable_mosaic.version = 14 : i64} {
  func.func @sc_msg(%arg0: i32, %arg1: i32, %arg2: memref<10240x128xf32, #tpu.memory_space<hbm>>, %arg3: memref<32x79x128xi32, #tpu.memory_space<hbm>>, %arg4: memref<32x79x128xi32, #tpu.memory_space<hbm>>, %arg5: memref<640x128xf32, #tpu.memory_space<hbm>>, %arg6: memref<2x10240x128xf32, #tpu.memory_space<hbm>>, %arg7: memref<79x128xi32, #tpu.memory_space<vmem>>, %arg8: memref<79x128xi32, #tpu.memory_space<vmem>>, %arg9: memref<128x128xf32, #tpu.memory_space<vmem>>, %arg10: memref<10240x128xf32, #tpu.memory_space<vmem_shared>>, %arg11: memref<!tpu.dma_semaphore, #tpu.memory_space<semaphore_mem>>) attributes {dimension_semantics = [#tpu.dimension_semantics<core_parallel>, #tpu.dimension_semantics<subcore_parallel>], iteration_bounds = array<i64: 2, 16>, scalar_prefetch = 0 : i64, scratch_operands = 5 : i64, tpu.core_type = #tpu.core_type<sc_vector_subcore>, window_params = [{transform_indices = #map}, {transform_indices = #map1}, {transform_indices = #map1}, {transform_indices = #map}, {transform_indices = #map1}]} {
    %mul3A = arith.constant 16 : i32
    %mul3A_0 = arith.muli %arg0, %mul3A : i32
    %add3A = arith.addi %mul3A_0, %arg1 : i32
    %mul3A_1 = arith.constant 640 : i32
    %mul3A_2 = arith.muli %arg1, %mul3A_1 : i32
    "tpu.region"() ({
      %run_scoped3A = tpu.sem_alloc : memref<!tpu.dma_semaphore, #tpu.memory_space<semaphore_mem>>
      %dma_start3A = arith.constant 0 : i32
      %dma_start3A_13 = tpu.memref_slice %arg10[%mul3A_2, %dma_start3A] : memref<10240x128xf32, #tpu.memory_space<vmem_shared>> -> memref<640x128xf32, #tpu.memory_space<vmem_shared>>
      tpu.enqueue_dma source(%arg5 : memref<640x128xf32, #tpu.memory_space<hbm>>) target(%dma_start3A_13 : memref<640x128xf32, #tpu.memory_space<vmem_shared>>) target_semaphore(%run_scoped3A : memref<!tpu.dma_semaphore, #tpu.memory_space<semaphore_mem>>)
      %dma_wait3A = arith.constant 0 : i32
      %dma_wait3A_14 = tpu.memref_slice %arg10[%mul3A_2, %dma_wait3A] : memref<10240x128xf32, #tpu.memory_space<vmem_shared>> -> memref<640x128xf32, #tpu.memory_space<vmem_shared>>
      tpu.wait_dma2 semaphore(%run_scoped3A : memref<!tpu.dma_semaphore, #tpu.memory_space<semaphore_mem>>) src(%arg5 : memref<640x128xf32, #tpu.memory_space<hbm>>) dst(%dma_wait3A_14 : memref<640x128xf32, #tpu.memory_space<vmem_shared>>)
      tpu.yield
    }) : () -> ()
    "tpu.region"() ({
      %run_scoped3A = tpu.sem_alloc : memref<!tpu.dma_semaphore, #tpu.memory_space<semaphore_mem>>
      %dma_start3A = arith.constant 0 : i32
      %dma_start3A_13 = arith.constant 0 : i32
      %dma_start3A_14 = tpu.memref_slice %arg3[%add3A, %dma_start3A, %dma_start3A_13] : memref<32x79x128xi32, #tpu.memory_space<hbm>> -> memref<1x79x128xi32, #tpu.memory_space<hbm>>
      %dma_start3A_15 = tpu.memref_squeeze %dma_start3A_14 : memref<1x79x128xi32, #tpu.memory_space<hbm>> -> memref<79x128xi32, #tpu.memory_space<hbm>>
      %dma_start3A_16 = arith.constant 0 : i32
      %dma_start3A_17 = arith.constant 0 : i32
      %dma_start3A_18 = tpu.memref_slice %arg3[%add3A, %dma_start3A_16, %dma_start3A_17] : memref<32x79x128xi32, #tpu.memory_space<hbm>> -> memref<1x79x128xi32, #tpu.memory_space<hbm>>
      %dma_start3A_19 = tpu.memref_squeeze %dma_start3A_18 : memref<1x79x128xi32, #tpu.memory_space<hbm>> -> memref<79x128xi32, #tpu.memory_space<hbm>>
      tpu.enqueue_dma source(%dma_start3A_19 : memref<79x128xi32, #tpu.memory_space<hbm>>) target(%arg7 : memref<79x128xi32, #tpu.memory_space<vmem>>) target_semaphore(%run_scoped3A : memref<!tpu.dma_semaphore, #tpu.memory_space<semaphore_mem>>)
      %dma_wait3A = arith.constant 0 : i32
      %dma_wait3A_20 = arith.constant 0 : i32
      %dma_wait3A_21 = tpu.memref_slice %arg3[%add3A, %dma_wait3A, %dma_wait3A_20] : memref<32x79x128xi32, #tpu.memory_space<hbm>> -> memref<1x79x128xi32, #tpu.memory_space<hbm>>
      %dma_wait3A_22 = tpu.memref_squeeze %dma_wait3A_21 : memref<1x79x128xi32, #tpu.memory_space<hbm>> -> memref<79x128xi32, #tpu.memory_space<hbm>>
      %dma_wait3A_23 = arith.constant 0 : i32
      %dma_wait3A_24 = arith.constant 0 : i32
      %dma_wait3A_25 = tpu.memref_slice %arg3[%add3A, %dma_wait3A_23, %dma_wait3A_24] : memref<32x79x128xi32, #tpu.memory_space<hbm>> -> memref<1x79x128xi32, #tpu.memory_space<hbm>>
      %dma_wait3A_26 = tpu.memref_squeeze %dma_wait3A_25 : memref<1x79x128xi32, #tpu.memory_space<hbm>> -> memref<79x128xi32, #tpu.memory_space<hbm>>
      tpu.wait_dma2 semaphore(%run_scoped3A : memref<!tpu.dma_semaphore, #tpu.memory_space<semaphore_mem>>) src(%dma_wait3A_26 : memref<79x128xi32, #tpu.memory_space<hbm>>) dst(%arg7 : memref<79x128xi32, #tpu.memory_space<vmem>>)
      tpu.yield
    }) : () -> ()
    "tpu.region"() ({
      %run_scoped3A = tpu.sem_alloc : memref<!tpu.dma_semaphore, #tpu.memory_space<semaphore_mem>>
      %dma_start3A = arith.constant 0 : i32
      %dma_start3A_13 = arith.constant 0 : i32
      %dma_start3A_14 = tpu.memref_slice %arg4[%add3A, %dma_start3A, %dma_start3A_13] : memref<32x79x128xi32, #tpu.memory_space<hbm>> -> memref<1x79x128xi32, #tpu.memory_space<hbm>>
      %dma_start3A_15 = tpu.memref_squeeze %dma_start3A_14 : memref<1x79x128xi32, #tpu.memory_space<hbm>> -> memref<79x128xi32, #tpu.memory_space<hbm>>
      %dma_start3A_16 = arith.constant 0 : i32
      %dma_start3A_17 = arith.constant 0 : i32
      %dma_start3A_18 = tpu.memref_slice %arg4[%add3A, %dma_start3A_16, %dma_start3A_17] : memref<32x79x128xi32, #tpu.memory_space<hbm>> -> memref<1x79x128xi32, #tpu.memory_space<hbm>>
      %dma_start3A_19 = tpu.memref_squeeze %dma_start3A_18 : memref<1x79x128xi32, #tpu.memory_space<hbm>> -> memref<79x128xi32, #tpu.memory_space<hbm>>
      tpu.enqueue_dma source(%dma_start3A_19 : memref<79x128xi32, #tpu.memory_space<hbm>>) target(%arg8 : memref<79x128xi32, #tpu.memory_space<vmem>>) target_semaphore(%run_scoped3A : memref<!tpu.dma_semaphore, #tpu.memory_space<semaphore_mem>>)
      %dma_wait3A = arith.constant 0 : i32
      %dma_wait3A_20 = arith.constant 0 : i32
      %dma_wait3A_21 = tpu.memref_slice %arg4[%add3A, %dma_wait3A, %dma_wait3A_20] : memref<32x79x128xi32, #tpu.memory_space<hbm>> -> memref<1x79x128xi32, #tpu.memory_space<hbm>>
      %dma_wait3A_22 = tpu.memref_squeeze %dma_wait3A_21 : memref<1x79x128xi32, #tpu.memory_space<hbm>> -> memref<79x128xi32, #tpu.memory_space<hbm>>
      %dma_wait3A_23 = arith.constant 0 : i32
      %dma_wait3A_24 = arith.constant 0 : i32
      %dma_wait3A_25 = tpu.memref_slice %arg4[%add3A, %dma_wait3A_23, %dma_wait3A_24] : memref<32x79x128xi32, #tpu.memory_space<hbm>> -> memref<1x79x128xi32, #tpu.memory_space<hbm>>
      %dma_wait3A_26 = tpu.memref_squeeze %dma_wait3A_25 : memref<1x79x128xi32, #tpu.memory_space<hbm>> -> memref<79x128xi32, #tpu.memory_space<hbm>>
      tpu.wait_dma2 semaphore(%run_scoped3A : memref<!tpu.dma_semaphore, #tpu.memory_space<semaphore_mem>>) src(%dma_wait3A_26 : memref<79x128xi32, #tpu.memory_space<hbm>>) dst(%arg8 : memref<79x128xi32, #tpu.memory_space<vmem>>)
      tpu.yield
    }) : () -> ()
    %barrier3A = arith.constant 0 : index
    tpu.barrier barrier_id(%barrier3A)
    %scan3A = arith.constant 0 : i32
    %scan3A_3 = arith.constant 0 : i32
    %scan3A_4 = arith.constant 79 : i32
    %scan3A_5 = arith.addi %scan3A_3, %scan3A_4 : i32
    %scan3A_6 = arith.constant 1 : i32
    scf.for %scan3A_13 = %scan3A_3 to %scan3A_5 step %scan3A_6  : i32 {
      %dma_start3A = arith.constant 0 : i32
      %dma_start3A_14 = tpu.memref_slice %arg7[%scan3A_13, %dma_start3A] : memref<79x128xi32, #tpu.memory_space<vmem>> -> memref<1x128xi32, #tpu.memory_space<vmem>>
      %dma_start3A_15 = tpu.memref_squeeze %dma_start3A_14 : memref<1x128xi32, #tpu.memory_space<vmem>> -> memref<128xi32, #tpu.memory_space<vmem>>
      %dma_start3A_16 = arith.constant 0 : i32
      %dma_start3A_17 = arith.constant 0 : i32
      %dma_start3A_18 = tpu.memref_slice %arg2[%dma_start3A_16, %dma_start3A_17] : memref<10240x128xf32, #tpu.memory_space<hbm>> -> memref<10240x128xf32, #tpu.memory_space<hbm>>
      tpu.enqueue_indirect_dma source(%dma_start3A_18 : memref<10240x128xf32, #tpu.memory_space<hbm>>) target(%arg9 : memref<128x128xf32, #tpu.memory_space<vmem>>) offsets(%dma_start3A_15 : memref<128xi32, #tpu.memory_space<vmem>>) semaphore(%arg11 : memref<!tpu.dma_semaphore, #tpu.memory_space<semaphore_mem>>)
      %dma_wait3A = arith.constant 0 : i32
      %dma_wait3A_19 = tpu.memref_slice %arg7[%scan3A_13, %dma_wait3A] : memref<79x128xi32, #tpu.memory_space<vmem>> -> memref<1x128xi32, #tpu.memory_space<vmem>>
      %dma_wait3A_20 = tpu.memref_squeeze %dma_wait3A_19 : memref<1x128xi32, #tpu.memory_space<vmem>> -> memref<128xi32, #tpu.memory_space<vmem>>
      %dma_wait3A_21 = arith.constant 0 : i32
      %dma_wait3A_22 = arith.constant 0 : i32
      %dma_wait3A_23 = tpu.memref_slice %arg2[%dma_wait3A_21, %dma_wait3A_22] : memref<10240x128xf32, #tpu.memory_space<hbm>> -> memref<10240x128xf32, #tpu.memory_space<hbm>>
      tpu.wait_indirect_dma semaphore(%arg11 : memref<!tpu.dma_semaphore, #tpu.memory_space<semaphore_mem>>) src(%dma_wait3A_23 : memref<10240x128xf32, #tpu.memory_space<hbm>>) dst(%arg9 : memref<128x128xf32, #tpu.memory_space<vmem>>)
      "tpu.region"() ({
        %run_scoped3A = tpu.sem_alloc : memref<!tpu.dma_semaphore, #tpu.memory_space<semaphore_mem>>
        %dma_start3A_24 = arith.constant 0 : i32
        %dma_start3A_25 = tpu.memref_slice %arg8[%scan3A_13, %dma_start3A_24] : memref<79x128xi32, #tpu.memory_space<vmem>> -> memref<1x128xi32, #tpu.memory_space<vmem>>
        %dma_start3A_26 = tpu.memref_squeeze %dma_start3A_25 : memref<1x128xi32, #tpu.memory_space<vmem>> -> memref<128xi32, #tpu.memory_space<vmem>>
        %dma_start3A_27 = arith.constant 0 : i32
        %dma_start3A_28 = arith.constant 0 : i32
        %dma_start3A_29 = tpu.memref_slice %arg10[%dma_start3A_27, %dma_start3A_28] : memref<10240x128xf32, #tpu.memory_space<vmem_shared>> -> memref<10240x128xf32, #tpu.memory_space<vmem_shared>>
        tpu.enqueue_indirect_dma source(%arg9 : memref<128x128xf32, #tpu.memory_space<vmem>>) target(%dma_start3A_29 : memref<10240x128xf32, #tpu.memory_space<vmem_shared>>) offsets(%dma_start3A_26 : memref<128xi32, #tpu.memory_space<vmem>>) semaphore(%run_scoped3A : memref<!tpu.dma_semaphore, #tpu.memory_space<semaphore_mem>>) {add = true}
        %dma_wait3A_30 = arith.constant 0 : i32
        %dma_wait3A_31 = tpu.memref_slice %arg8[%scan3A_13, %dma_wait3A_30] : memref<79x128xi32, #tpu.memory_space<vmem>> -> memref<1x128xi32, #tpu.memory_space<vmem>>
        %dma_wait3A_32 = tpu.memref_squeeze %dma_wait3A_31 : memref<1x128xi32, #tpu.memory_space<vmem>> -> memref<128xi32, #tpu.memory_space<vmem>>
        %dma_wait3A_33 = arith.constant 0 : i32
        %dma_wait3A_34 = arith.constant 0 : i32
        %dma_wait3A_35 = tpu.memref_slice %arg10[%dma_wait3A_33, %dma_wait3A_34] : memref<10240x128xf32, #tpu.memory_space<vmem_shared>> -> memref<10240x128xf32, #tpu.memory_space<vmem_shared>>
        tpu.wait_indirect_dma semaphore(%run_scoped3A : memref<!tpu.dma_semaphore, #tpu.memory_space<semaphore_mem>>) src(%arg9 : memref<128x128xf32, #tpu.memory_space<vmem>>) dst(%dma_wait3A_35 : memref<10240x128xf32, #tpu.memory_space<vmem_shared>>)
        tpu.yield
      }) : () -> ()
    }
    %scan3A_7 = arith.constant 79 : i32
    %barrier3A_8 = arith.constant 0 : index
    tpu.barrier barrier_id(%barrier3A_8)
    %mul3A_9 = arith.constant 640 : i32
    %mul3A_10 = arith.muli %arg1, %mul3A_9 : i32
    %mul3A_11 = arith.constant 640 : i32
    %mul3A_12 = arith.muli %arg1, %mul3A_11 : i32
    "tpu.region"() ({
      %run_scoped3A = tpu.sem_alloc : memref<!tpu.dma_semaphore, #tpu.memory_space<semaphore_mem>>
      %dma_start3A = arith.constant 0 : i32
      %dma_start3A_13 = tpu.memref_slice %arg6[%arg0, %mul3A_12, %dma_start3A] : memref<2x10240x128xf32, #tpu.memory_space<hbm>> -> memref<1x640x128xf32, #tpu.memory_space<hbm>>
      %dma_start3A_14 = tpu.memref_squeeze %dma_start3A_13 : memref<1x640x128xf32, #tpu.memory_space<hbm>> -> memref<640x128xf32, #tpu.memory_space<hbm>>
      %dma_start3A_15 = arith.constant 0 : i32
      %dma_start3A_16 = tpu.memref_slice %arg10[%mul3A_10, %dma_start3A_15] : memref<10240x128xf32, #tpu.memory_space<vmem_shared>> -> memref<640x128xf32, #tpu.memory_space<vmem_shared>>
      tpu.enqueue_dma source(%dma_start3A_16 : memref<640x128xf32, #tpu.memory_space<vmem_shared>>) target(%dma_start3A_14 : memref<640x128xf32, #tpu.memory_space<hbm>>) target_semaphore(%run_scoped3A : memref<!tpu.dma_semaphore, #tpu.memory_space<semaphore_mem>>)
      %dma_wait3A = arith.constant 0 : i32
      %dma_wait3A_17 = tpu.memref_slice %arg6[%arg0, %mul3A_12, %dma_wait3A] : memref<2x10240x128xf32, #tpu.memory_space<hbm>> -> memref<1x640x128xf32, #tpu.memory_space<hbm>>
      %dma_wait3A_18 = tpu.memref_squeeze %dma_wait3A_17 : memref<1x640x128xf32, #tpu.memory_space<hbm>> -> memref<640x128xf32, #tpu.memory_space<hbm>>
      %dma_wait3A_19 = arith.constant 0 : i32
      %dma_wait3A_20 = tpu.memref_slice %arg10[%mul3A_10, %dma_wait3A_19] : memref<10240x128xf32, #tpu.memory_space<vmem_shared>> -> memref<640x128xf32, #tpu.memory_space<vmem_shared>>
      tpu.wait_dma2 semaphore(%run_scoped3A : memref<!tpu.dma_semaphore, #tpu.memory_space<semaphore_mem>>) src(%dma_wait3A_20 : memref<640x128xf32, #tpu.memory_space<vmem_shared>>) dst(%dma_wait3A_18 : memref<640x128xf32, #tpu.memory_space<hbm>>)
      tpu.yield
    }) : () -> ()
    return
  }
}

#map = affine_map<(d0, d1) -> (0, 0, 0)>
#map1 = affine_map<(d0, d1) -> (0, 0)>
module attributes {stable_mosaic.version = 14 : i64} {
  func.func @sc_deg(%arg0: i32, %arg1: i32, %arg2: memref<32x79x128xi32, #tpu.memory_space<hbm>>, %arg3: memref<128x128xf32, #tpu.memory_space<hbm>>, %arg4: memref<640x128xf32, #tpu.memory_space<hbm>>, %arg5: memref<2x10240x128xf32, #tpu.memory_space<hbm>>, %arg6: memref<79x128xi32, #tpu.memory_space<vmem>>, %arg7: memref<128x128xf32, #tpu.memory_space<vmem>>, %arg8: memref<10240x128xf32, #tpu.memory_space<vmem_shared>>, %arg9: memref<!tpu.dma_semaphore, #tpu.memory_space<semaphore_mem>>) attributes {dimension_semantics = [#tpu.dimension_semantics<core_parallel>, #tpu.dimension_semantics<subcore_parallel>], iteration_bounds = array<i64: 2, 16>, scalar_prefetch = 0 : i64, scratch_operands = 4 : i64, tpu.core_type = #tpu.core_type<sc_vector_subcore>, window_params = [{transform_indices = #map}, {transform_indices = #map1}, {transform_indices = #map1}, {transform_indices = #map}]} {
    %mul3A = arith.constant 16 : i32
    %mul3A_0 = arith.muli %arg0, %mul3A : i32
    %add3A = arith.addi %mul3A_0, %arg1 : i32
    %mul3A_1 = arith.constant 640 : i32
    %mul3A_2 = arith.muli %arg1, %mul3A_1 : i32
    "tpu.region"() ({
      %run_scoped3A = tpu.sem_alloc : memref<!tpu.dma_semaphore, #tpu.memory_space<semaphore_mem>>
      %dma_start3A = arith.constant 0 : i32
      %dma_start3A_13 = tpu.memref_slice %arg8[%mul3A_2, %dma_start3A] : memref<10240x128xf32, #tpu.memory_space<vmem_shared>> -> memref<640x128xf32, #tpu.memory_space<vmem_shared>>
      tpu.enqueue_dma source(%arg4 : memref<640x128xf32, #tpu.memory_space<hbm>>) target(%dma_start3A_13 : memref<640x128xf32, #tpu.memory_space<vmem_shared>>) target_semaphore(%run_scoped3A : memref<!tpu.dma_semaphore, #tpu.memory_space<semaphore_mem>>)
      %dma_wait3A = arith.constant 0 : i32
      %dma_wait3A_14 = tpu.memref_slice %arg8[%mul3A_2, %dma_wait3A] : memref<10240x128xf32, #tpu.memory_space<vmem_shared>> -> memref<640x128xf32, #tpu.memory_space<vmem_shared>>
      tpu.wait_dma2 semaphore(%run_scoped3A : memref<!tpu.dma_semaphore, #tpu.memory_space<semaphore_mem>>) src(%arg4 : memref<640x128xf32, #tpu.memory_space<hbm>>) dst(%dma_wait3A_14 : memref<640x128xf32, #tpu.memory_space<vmem_shared>>)
      tpu.yield
    }) : () -> ()
    "tpu.region"() ({
      %run_scoped3A = tpu.sem_alloc : memref<!tpu.dma_semaphore, #tpu.memory_space<semaphore_mem>>
      tpu.enqueue_dma source(%arg3 : memref<128x128xf32, #tpu.memory_space<hbm>>) target(%arg7 : memref<128x128xf32, #tpu.memory_space<vmem>>) target_semaphore(%run_scoped3A : memref<!tpu.dma_semaphore, #tpu.memory_space<semaphore_mem>>)
      tpu.wait_dma2 semaphore(%run_scoped3A : memref<!tpu.dma_semaphore, #tpu.memory_space<semaphore_mem>>) src(%arg3 : memref<128x128xf32, #tpu.memory_space<hbm>>) dst(%arg7 : memref<128x128xf32, #tpu.memory_space<vmem>>)
      tpu.yield
    }) : () -> ()
    "tpu.region"() ({
      %run_scoped3A = tpu.sem_alloc : memref<!tpu.dma_semaphore, #tpu.memory_space<semaphore_mem>>
      %dma_start3A = arith.constant 0 : i32
      %dma_start3A_13 = arith.constant 0 : i32
      %dma_start3A_14 = tpu.memref_slice %arg2[%add3A, %dma_start3A, %dma_start3A_13] : memref<32x79x128xi32, #tpu.memory_space<hbm>> -> memref<1x79x128xi32, #tpu.memory_space<hbm>>
      %dma_start3A_15 = tpu.memref_squeeze %dma_start3A_14 : memref<1x79x128xi32, #tpu.memory_space<hbm>> -> memref<79x128xi32, #tpu.memory_space<hbm>>
      %dma_start3A_16 = arith.constant 0 : i32
      %dma_start3A_17 = arith.constant 0 : i32
      %dma_start3A_18 = tpu.memref_slice %arg2[%add3A, %dma_start3A_16, %dma_start3A_17] : memref<32x79x128xi32, #tpu.memory_space<hbm>> -> memref<1x79x128xi32, #tpu.memory_space<hbm>>
      %dma_start3A_19 = tpu.memref_squeeze %dma_start3A_18 : memref<1x79x128xi32, #tpu.memory_space<hbm>> -> memref<79x128xi32, #tpu.memory_space<hbm>>
      tpu.enqueue_dma source(%dma_start3A_19 : memref<79x128xi32, #tpu.memory_space<hbm>>) target(%arg6 : memref<79x128xi32, #tpu.memory_space<vmem>>) target_semaphore(%run_scoped3A : memref<!tpu.dma_semaphore, #tpu.memory_space<semaphore_mem>>)
      %dma_wait3A = arith.constant 0 : i32
      %dma_wait3A_20 = arith.constant 0 : i32
      %dma_wait3A_21 = tpu.memref_slice %arg2[%add3A, %dma_wait3A, %dma_wait3A_20] : memref<32x79x128xi32, #tpu.memory_space<hbm>> -> memref<1x79x128xi32, #tpu.memory_space<hbm>>
      %dma_wait3A_22 = tpu.memref_squeeze %dma_wait3A_21 : memref<1x79x128xi32, #tpu.memory_space<hbm>> -> memref<79x128xi32, #tpu.memory_space<hbm>>
      %dma_wait3A_23 = arith.constant 0 : i32
      %dma_wait3A_24 = arith.constant 0 : i32
      %dma_wait3A_25 = tpu.memref_slice %arg2[%add3A, %dma_wait3A_23, %dma_wait3A_24] : memref<32x79x128xi32, #tpu.memory_space<hbm>> -> memref<1x79x128xi32, #tpu.memory_space<hbm>>
      %dma_wait3A_26 = tpu.memref_squeeze %dma_wait3A_25 : memref<1x79x128xi32, #tpu.memory_space<hbm>> -> memref<79x128xi32, #tpu.memory_space<hbm>>
      tpu.wait_dma2 semaphore(%run_scoped3A : memref<!tpu.dma_semaphore, #tpu.memory_space<semaphore_mem>>) src(%dma_wait3A_26 : memref<79x128xi32, #tpu.memory_space<hbm>>) dst(%arg6 : memref<79x128xi32, #tpu.memory_space<vmem>>)
      tpu.yield
    }) : () -> ()
    %barrier3A = arith.constant 0 : index
    tpu.barrier barrier_id(%barrier3A)
    %scan3A = arith.constant 0 : i32
    %scan3A_3 = arith.constant 0 : i32
    %scan3A_4 = arith.constant 79 : i32
    %scan3A_5 = arith.addi %scan3A_3, %scan3A_4 : i32
    %scan3A_6 = arith.constant 1 : i32
    scf.for %scan3A_13 = %scan3A_3 to %scan3A_5 step %scan3A_6  : i32 {
      "tpu.region"() ({
        %run_scoped3A = tpu.sem_alloc : memref<!tpu.dma_semaphore, #tpu.memory_space<semaphore_mem>>
        %dma_start3A = arith.constant 0 : i32
        %dma_start3A_14 = tpu.memref_slice %arg6[%scan3A_13, %dma_start3A] : memref<79x128xi32, #tpu.memory_space<vmem>> -> memref<1x128xi32, #tpu.memory_space<vmem>>
        %dma_start3A_15 = tpu.memref_squeeze %dma_start3A_14 : memref<1x128xi32, #tpu.memory_space<vmem>> -> memref<128xi32, #tpu.memory_space<vmem>>
        %dma_start3A_16 = arith.constant 0 : i32
        %dma_start3A_17 = arith.constant 0 : i32
        %dma_start3A_18 = tpu.memref_slice %arg8[%dma_start3A_16, %dma_start3A_17] : memref<10240x128xf32, #tpu.memory_space<vmem_shared>> -> memref<10240x128xf32, #tpu.memory_space<vmem_shared>>
        tpu.enqueue_indirect_dma source(%arg7 : memref<128x128xf32, #tpu.memory_space<vmem>>) target(%dma_start3A_18 : memref<10240x128xf32, #tpu.memory_space<vmem_shared>>) offsets(%dma_start3A_15 : memref<128xi32, #tpu.memory_space<vmem>>) semaphore(%run_scoped3A : memref<!tpu.dma_semaphore, #tpu.memory_space<semaphore_mem>>) {add = true}
        %dma_wait3A = arith.constant 0 : i32
        %dma_wait3A_19 = tpu.memref_slice %arg6[%scan3A_13, %dma_wait3A] : memref<79x128xi32, #tpu.memory_space<vmem>> -> memref<1x128xi32, #tpu.memory_space<vmem>>
        %dma_wait3A_20 = tpu.memref_squeeze %dma_wait3A_19 : memref<1x128xi32, #tpu.memory_space<vmem>> -> memref<128xi32, #tpu.memory_space<vmem>>
        %dma_wait3A_21 = arith.constant 0 : i32
        %dma_wait3A_22 = arith.constant 0 : i32
        %dma_wait3A_23 = tpu.memref_slice %arg8[%dma_wait3A_21, %dma_wait3A_22] : memref<10240x128xf32, #tpu.memory_space<vmem_shared>> -> memref<10240x128xf32, #tpu.memory_space<vmem_shared>>
        tpu.wait_indirect_dma semaphore(%run_scoped3A : memref<!tpu.dma_semaphore, #tpu.memory_space<semaphore_mem>>) src(%arg7 : memref<128x128xf32, #tpu.memory_space<vmem>>) dst(%dma_wait3A_23 : memref<10240x128xf32, #tpu.memory_space<vmem_shared>>)
        tpu.yield
      }) : () -> ()
    }
    %scan3A_7 = arith.constant 79 : i32
    %barrier3A_8 = arith.constant 0 : index
    tpu.barrier barrier_id(%barrier3A_8)
    %mul3A_9 = arith.constant 640 : i32
    %mul3A_10 = arith.muli %arg1, %mul3A_9 : i32
    %mul3A_11 = arith.constant 640 : i32
    %mul3A_12 = arith.muli %arg1, %mul3A_11 : i32
    "tpu.region"() ({
      %run_scoped3A = tpu.sem_alloc : memref<!tpu.dma_semaphore, #tpu.memory_space<semaphore_mem>>
      %dma_start3A = arith.constant 0 : i32
      %dma_start3A_13 = tpu.memref_slice %arg5[%arg0, %mul3A_12, %dma_start3A] : memref<2x10240x128xf32, #tpu.memory_space<hbm>> -> memref<1x640x128xf32, #tpu.memory_space<hbm>>
      %dma_start3A_14 = tpu.memref_squeeze %dma_start3A_13 : memref<1x640x128xf32, #tpu.memory_space<hbm>> -> memref<640x128xf32, #tpu.memory_space<hbm>>
      %dma_start3A_15 = arith.constant 0 : i32
      %dma_start3A_16 = tpu.memref_slice %arg8[%mul3A_10, %dma_start3A_15] : memref<10240x128xf32, #tpu.memory_space<vmem_shared>> -> memref<640x128xf32, #tpu.memory_space<vmem_shared>>
      tpu.enqueue_dma source(%dma_start3A_16 : memref<640x128xf32, #tpu.memory_space<vmem_shared>>) target(%dma_start3A_14 : memref<640x128xf32, #tpu.memory_space<hbm>>) target_semaphore(%run_scoped3A : memref<!tpu.dma_semaphore, #tpu.memory_space<semaphore_mem>>)
      %dma_wait3A = arith.constant 0 : i32
      %dma_wait3A_17 = tpu.memref_slice %arg5[%arg0, %mul3A_12, %dma_wait3A] : memref<2x10240x128xf32, #tpu.memory_space<hbm>> -> memref<1x640x128xf32, #tpu.memory_space<hbm>>
      %dma_wait3A_18 = tpu.memref_squeeze %dma_wait3A_17 : memref<1x640x128xf32, #tpu.memory_space<hbm>> -> memref<640x128xf32, #tpu.memory_space<hbm>>
      %dma_wait3A_19 = arith.constant 0 : i32
      %dma_wait3A_20 = tpu.memref_slice %arg8[%mul3A_10, %dma_wait3A_19] : memref<10240x128xf32, #tpu.memory_space<vmem_shared>> -> memref<640x128xf32, #tpu.memory_space<vmem_shared>>
      tpu.wait_dma2 semaphore(%run_scoped3A : memref<!tpu.dma_semaphore, #tpu.memory_space<semaphore_mem>>) src(%dma_wait3A_20 : memref<640x128xf32, #tpu.memory_space<vmem_shared>>) dst(%dma_wait3A_18 : memref<640x128xf32, #tpu.memory_space<hbm>>)
      tpu.yield
    }) : () -> ()
    return
  }
}

module attributes {stable_mosaic.version = 14 : i64} {
  func.func @_tc_mm1_body(%arg0: i32, %arg1: memref<128x128xf32, #tpu.memory_space<vmem>>, %arg2: memref<128x128xf32, #tpu.memory_space<vmem>>, %arg3: memref<2x128x128xf32, #tpu.memory_space<vmem>>, %arg4: memref<128x128xf32, #tpu.memory_space<vmem>>) attributes {dimension_semantics = [#tpu.dimension_semantics<arbitrary>], iteration_bounds = array<i64: 80>, scalar_prefetch = 0 : i64, scratch_operands = 0 : i64, tpu.core_type = #tpu.core_type<tc>, window_params = [{transform_indices = @transform_0, window_bounds = array<i64: 128, 128>}, {pipeline_mode = #tpu.pipeline_mode<synchronous>, transform_indices = @transform_1, window_bounds = array<i64: 128, 128>}, {transform_indices = @transform_2, window_bounds = array<i64: 2, 128, 128>}, {transform_indices = @transform_3, window_bounds = array<i64: 128, 128>}]} {
    %get3A = arith.constant 0 : index
    %get3A_0 = arith.constant 0 : index
    %get3A_1 = arith.constant 0 : index
    %get3A_2 = vector.load %arg3[%get3A, %get3A_0, %get3A_1] : memref<2x128x128xf32, #tpu.memory_space<vmem>>, vector<1x128x1xf32>
    %get3A_3 = vector.shape_cast %get3A_2 : vector<1x128x1xf32> to vector<128x1xf32>
    %get3A_4 = arith.constant 1 : index
    %get3A_5 = arith.constant 0 : index
    %get3A_6 = arith.constant 0 : index
    %get3A_7 = vector.load %arg3[%get3A_4, %get3A_5, %get3A_6] : memref<2x128x128xf32, #tpu.memory_space<vmem>>, vector<1x128x1xf32>
    %get3A_8 = vector.shape_cast %get3A_7 : vector<1x128x1xf32> to vector<128x1xf32>
    %add3A = arith.addf %get3A_3, %get3A_8 : vector<128x1xf32>
    %add3A_9 = arith.constant 1.000000e+00 : f32
    %add3A_10 = vector.broadcast %add3A_9 : f32 to vector<128x1xf32>
    %add3A_11 = arith.addf %add3A, %add3A_10 : vector<128x1xf32>
    %rsqrt3A = math.rsqrt %add3A_11 : vector<128x1xf32>
    %get3A_12 = arith.constant 0 : index
    %get3A_13 = arith.constant 0 : index
    %get3A_14 = vector.load %arg1[%get3A_12, %get3A_13] : memref<128x128xf32, #tpu.memory_space<vmem>>, vector<128x128xf32>
    %get3A_15 = arith.constant 0 : index
    %get3A_16 = arith.constant 0 : index
    %get3A_17 = vector.load %arg2[%get3A_15, %get3A_16] : memref<128x128xf32, #tpu.memory_space<vmem>>, vector<128x128xf32>
    %dot_general3A = arith.constant dense<0.000000e+00> : vector<128x128xf32>
    %dot_general3A_18 = tpu.matmul %get3A_14, %get3A_17, %dot_general3A {dimension_numbers = #tpu.dot_dimension_numbers<[1], [0], [0], [1], [0, 0, 1, 1], [], []>, transpose_lhs_hint = false} : vector<128x128xf32>, vector<128x128xf32>, vector<128x128xf32> -> vector<128x128xf32>
    %mul3A = vector.broadcast %rsqrt3A : vector<128x1xf32> to vector<128x128xf32>
    %mul3A_19 = arith.mulf %dot_general3A_18, %mul3A : vector<128x128xf32>
    %swap3A = arith.constant 0 : index
    %swap3A_20 = arith.constant 0 : index
    %swap3A_21 = vector.load %arg4[%swap3A, %swap3A_20] : memref<128x128xf32, #tpu.memory_space<vmem>>, vector<128x128xf32>
    tpu.vector_store %arg4[%swap3A, %swap3A_20], %mul3A_19 {strides = array<i32>} : memref<128x128xf32, #tpu.memory_space<vmem>>, vector<128x128xf32>,
    return
  }
  func.func @transform_0(%arg0: i32) -> (i32, i32) {
    %c0_i32 = arith.constant 0 : i32
    %c0_i32_0 = arith.constant 0 : i32
    return %arg0, %c0_i32 : i32, i32
  }
  func.func @transform_1(%arg0: i32) -> (i32, i32) {
    %c0_i32 = arith.constant 0 : i32
    %c0_i32_0 = arith.constant 0 : i32
    %c0_i32_1 = arith.constant 0 : i32
    return %c0_i32, %c0_i32_0 : i32, i32
  }
  func.func @transform_2(%arg0: i32) -> (i32, i32, i32) {
    %c0_i32 = arith.constant 0 : i32
    %c0_i32_0 = arith.constant 0 : i32
    %c0_i32_1 = arith.constant 0 : i32
    return %c0_i32, %arg0, %c0_i32_0 : i32, i32, i32
  }
  func.func @transform_3(%arg0: i32) -> (i32, i32) {
    %c0_i32 = arith.constant 0 : i32
    %c0_i32_0 = arith.constant 0 : i32
    return %arg0, %c0_i32 : i32, i32
  }
}

module attributes {stable_mosaic.version = 14 : i64} {
  func.func @_tc_combine_body(%arg0: i32, %arg1: memref<2x128x128xf32, #tpu.memory_space<vmem>>, %arg2: memref<128x128xf32, #tpu.memory_space<vmem>>, %arg3: memref<2x128x128xf32, #tpu.memory_space<vmem>>, %arg4: memref<1x128xf32, #tpu.memory_space<vmem>>, %arg5: memref<128x128xf32, #tpu.memory_space<vmem>>, %arg6: memref<128x128xf32, #tpu.memory_space<vmem>>, %arg7: memref<128x128xf32, #tpu.memory_space<vmem>>) attributes {dimension_semantics = [#tpu.dimension_semantics<arbitrary>], iteration_bounds = array<i64: 80>, scalar_prefetch = 0 : i64, scratch_operands = 0 : i64, tpu.core_type = #tpu.core_type<tc>, window_params = [{transform_indices = @transform_0, window_bounds = array<i64: 2, 128, 128>}, {transform_indices = @transform_1, window_bounds = array<i64: 128, 128>}, {transform_indices = @transform_2, window_bounds = array<i64: 2, 128, 128>}, {pipeline_mode = #tpu.pipeline_mode<synchronous>, transform_indices = @transform_3, window_bounds = array<i64: 1, 128>}, {pipeline_mode = #tpu.pipeline_mode<synchronous>, transform_indices = @transform_4, window_bounds = array<i64: 128, 128>}, {transform_indices = @transform_5, window_bounds = array<i64: 128, 128>}, {transform_indices = @transform_6, window_bounds = array<i64: 128, 128>}]} {
    %get3A = arith.constant 0 : index
    %get3A_0 = arith.constant 0 : index
    %get3A_1 = arith.constant 0 : index
    %get3A_2 = vector.load %arg3[%get3A, %get3A_0, %get3A_1] : memref<2x128x128xf32, #tpu.memory_space<vmem>>, vector<1x128x1xf32>
    %get3A_3 = vector.shape_cast %get3A_2 : vector<1x128x1xf32> to vector<128x1xf32>
    %get3A_4 = arith.constant 1 : index
    %get3A_5 = arith.constant 0 : index
    %get3A_6 = arith.constant 0 : index
    %get3A_7 = vector.load %arg3[%get3A_4, %get3A_5, %get3A_6] : memref<2x128x128xf32, #tpu.memory_space<vmem>>, vector<1x128x1xf32>
    %get3A_8 = vector.shape_cast %get3A_7 : vector<1x128x1xf32> to vector<128x1xf32>
    %add3A = arith.addf %get3A_3, %get3A_8 : vector<128x1xf32>
    %add3A_9 = arith.constant 1.000000e+00 : f32
    %add3A_10 = vector.broadcast %add3A_9 : f32 to vector<128x1xf32>
    %add3A_11 = arith.addf %add3A, %add3A_10 : vector<128x1xf32>
    %rsqrt3A = math.rsqrt %add3A_11 : vector<128x1xf32>
    %get3A_12 = arith.constant 0 : index
    %get3A_13 = arith.constant 0 : index
    %get3A_14 = arith.constant 0 : index
    %get3A_15 = vector.load %arg1[%get3A_12, %get3A_13, %get3A_14] : memref<2x128x128xf32, #tpu.memory_space<vmem>>, vector<1x128x128xf32>
    %get3A_16 = vector.shape_cast %get3A_15 : vector<1x128x128xf32> to vector<128x128xf32>
    %get3A_17 = arith.constant 1 : index
    %get3A_18 = arith.constant 0 : index
    %get3A_19 = arith.constant 0 : index
    %get3A_20 = vector.load %arg1[%get3A_17, %get3A_18, %get3A_19] : memref<2x128x128xf32, #tpu.memory_space<vmem>>, vector<1x128x128xf32>
    %get3A_21 = vector.shape_cast %get3A_20 : vector<1x128x128xf32> to vector<128x128xf32>
    %add3A_22 = arith.addf %get3A_16, %get3A_21 : vector<128x128xf32>
    %get3A_23 = arith.constant 0 : index
    %get3A_24 = arith.constant 0 : index
    %get3A_25 = vector.load %arg2[%get3A_23, %get3A_24] : memref<128x128xf32, #tpu.memory_space<vmem>>, vector<128x128xf32>
    %add3A_26 = arith.addf %add3A_22, %get3A_25 : vector<128x128xf32>
    %mul3A = vector.broadcast %rsqrt3A : vector<128x1xf32> to vector<128x128xf32>
    %mul3A_27 = arith.mulf %mul3A, %add3A_26 : vector<128x128xf32>
    %get3A_28 = arith.constant 0 : index
    %get3A_29 = arith.constant 0 : index
    %get3A_30 = vector.load %arg4[%get3A_28, %get3A_29] : memref<1x128xf32, #tpu.memory_space<vmem>>, vector<1x128xf32>
    %add3A_31 = vector.broadcast %get3A_30 : vector<1x128xf32> to vector<128x128xf32>
    %add3A_32 = arith.addf %mul3A_27, %add3A_31 : vector<128x128xf32>
    %swap3A = arith.constant 0 : index
    %swap3A_33 = arith.constant 0 : index
    %swap3A_34 = vector.load %arg6[%swap3A, %swap3A_33] : memref<128x128xf32, #tpu.memory_space<vmem>>, vector<128x128xf32>
    tpu.vector_store %arg6[%swap3A, %swap3A_33], %add3A_32 {strides = array<i32>} : memref<128x128xf32, #tpu.memory_space<vmem>>, vector<128x128xf32>,
    %max3A = arith.constant 0.000000e+00 : f32
    %max3A_35 = vector.broadcast %max3A : f32 to vector<128x128xf32>
    %max3A_36 = arith.maximumf %add3A_32, %max3A_35 : vector<128x128xf32>
    %get3A_37 = arith.constant 0 : index
    %get3A_38 = arith.constant 0 : index
    %get3A_39 = vector.load %arg5[%get3A_37, %get3A_38] : memref<128x128xf32, #tpu.memory_space<vmem>>, vector<128x128xf32>
    %dot_general3A = arith.constant dense<0.000000e+00> : vector<128x128xf32>
    %dot_general3A_40 = tpu.matmul %max3A_36, %get3A_39, %dot_general3A {dimension_numbers = #tpu.dot_dimension_numbers<[1], [0], [0], [1], [0, 0, 1, 1], [], []>, transpose_lhs_hint = false} : vector<128x128xf32>, vector<128x128xf32>, vector<128x128xf32> -> vector<128x128xf32>
    %mul3A_41 = vector.broadcast %rsqrt3A : vector<128x1xf32> to vector<128x128xf32>
    %mul3A_42 = arith.mulf %dot_general3A_40, %mul3A_41 : vector<128x128xf32>
    %swap3A_43 = arith.constant 0 : index
    %swap3A_44 = arith.constant 0 : index
    %swap3A_45 = vector.load %arg7[%swap3A_43, %swap3A_44] : memref<128x128xf32, #tpu.memory_space<vmem>>, vector<128x128xf32>
    tpu.vector_store %arg7[%swap3A_43, %swap3A_44], %mul3A_42 {strides = array<i32>} : memref<128x128xf32, #tpu.memory_space<vmem>>, vector<128x128xf32>,
    return
  }
  func.func @transform_0(%arg0: i32) -> (i32, i32, i32) {
    %c0_i32 = arith.constant 0 : i32
    %c0_i32_0 = arith.constant 0 : i32
    %c0_i32_1 = arith.constant 0 : i32
    return %c0_i32, %arg0, %c0_i32_0 : i32, i32, i32
  }
  func.func @transform_1(%arg0: i32) -> (i32, i32) {
    %c0_i32 = arith.constant 0 : i32
    %c0_i32_0 = arith.constant 0 : i32
    return %arg0, %c0_i32 : i32, i32
  }
  func.func @transform_2(%arg0: i32) -> (i32, i32, i32) {
    %c0_i32 = arith.constant 0 : i32
    %c0_i32_0 = arith.constant 0 : i32
    %c0_i32_1 = arith.constant 0 : i32
    return %c0_i32, %arg0, %c0_i32_0 : i32, i32, i32
  }
  func.func @transform_3(%arg0: i32) -> (i32, i32) {
    %c0_i32 = arith.constant 0 : i32
    %c0_i32_0 = arith.constant 0 : i32
    %c0_i32_1 = arith.constant 0 : i32
    return %c0_i32, %c0_i32_0 : i32, i32
  }
  func.func @transform_4(%arg0: i32) -> (i32, i32) {
    %c0_i32 = arith.constant 0 : i32
    %c0_i32_0 = arith.constant 0 : i32
    %c0_i32_1 = arith.constant 0 : i32
    return %c0_i32, %c0_i32_0 : i32, i32
  }
  func.func @transform_5(%arg0: i32) -> (i32, i32) {
    %c0_i32 = arith.constant 0 : i32
    %c0_i32_0 = arith.constant 0 : i32
    return %arg0, %c0_i32 : i32, i32
  }
  func.func @transform_6(%arg0: i32) -> (i32, i32) {
    %c0_i32 = arith.constant 0 : i32
    %c0_i32_0 = arith.constant 0 : i32
    return %arg0, %c0_i32 : i32, i32
  }
}

module attributes {stable_mosaic.version = 14 : i64} {
  func.func @_tc_final_body(%arg0: i32, %arg1: memref<2x128x128xf32, #tpu.memory_space<vmem>>, %arg2: memref<128x128xf32, #tpu.memory_space<vmem>>, %arg3: memref<2x128x128xf32, #tpu.memory_space<vmem>>, %arg4: memref<1x128xf32, #tpu.memory_space<vmem>>, %arg5: memref<128x128xf32, #tpu.memory_space<vmem>>) attributes {dimension_semantics = [#tpu.dimension_semantics<arbitrary>], iteration_bounds = array<i64: 80>, scalar_prefetch = 0 : i64, scratch_operands = 0 : i64, tpu.core_type = #tpu.core_type<tc>, window_params = [{transform_indices = @transform_0, window_bounds = array<i64: 2, 128, 128>}, {transform_indices = @transform_1, window_bounds = array<i64: 128, 128>}, {transform_indices = @transform_2, window_bounds = array<i64: 2, 128, 128>}, {pipeline_mode = #tpu.pipeline_mode<synchronous>, transform_indices = @transform_3, window_bounds = array<i64: 1, 128>}, {transform_indices = @transform_4, window_bounds = array<i64: 128, 128>}]} {
    %get3A = arith.constant 0 : index
    %get3A_0 = arith.constant 0 : index
    %get3A_1 = arith.constant 0 : index
    %get3A_2 = vector.load %arg3[%get3A, %get3A_0, %get3A_1] : memref<2x128x128xf32, #tpu.memory_space<vmem>>, vector<1x128x1xf32>
    %get3A_3 = vector.shape_cast %get3A_2 : vector<1x128x1xf32> to vector<128x1xf32>
    %get3A_4 = arith.constant 1 : index
    %get3A_5 = arith.constant 0 : index
    %get3A_6 = arith.constant 0 : index
    %get3A_7 = vector.load %arg3[%get3A_4, %get3A_5, %get3A_6] : memref<2x128x128xf32, #tpu.memory_space<vmem>>, vector<1x128x1xf32>
    %get3A_8 = vector.shape_cast %get3A_7 : vector<1x128x1xf32> to vector<128x1xf32>
    %add3A = arith.addf %get3A_3, %get3A_8 : vector<128x1xf32>
    %add3A_9 = arith.constant 1.000000e+00 : f32
    %add3A_10 = vector.broadcast %add3A_9 : f32 to vector<128x1xf32>
    %add3A_11 = arith.addf %add3A, %add3A_10 : vector<128x1xf32>
    %rsqrt3A = math.rsqrt %add3A_11 : vector<128x1xf32>
    %get3A_12 = arith.constant 0 : index
    %get3A_13 = arith.constant 0 : index
    %get3A_14 = arith.constant 0 : index
    %get3A_15 = vector.load %arg1[%get3A_12, %get3A_13, %get3A_14] : memref<2x128x128xf32, #tpu.memory_space<vmem>>, vector<1x128x128xf32>
    %get3A_16 = vector.shape_cast %get3A_15 : vector<1x128x128xf32> to vector<128x128xf32>
    %get3A_17 = arith.constant 1 : index
    %get3A_18 = arith.constant 0 : index
    %get3A_19 = arith.constant 0 : index
    %get3A_20 = vector.load %arg1[%get3A_17, %get3A_18, %get3A_19] : memref<2x128x128xf32, #tpu.memory_space<vmem>>, vector<1x128x128xf32>
    %get3A_21 = vector.shape_cast %get3A_20 : vector<1x128x128xf32> to vector<128x128xf32>
    %add3A_22 = arith.addf %get3A_16, %get3A_21 : vector<128x128xf32>
    %get3A_23 = arith.constant 0 : index
    %get3A_24 = arith.constant 0 : index
    %get3A_25 = vector.load %arg2[%get3A_23, %get3A_24] : memref<128x128xf32, #tpu.memory_space<vmem>>, vector<128x128xf32>
    %add3A_26 = arith.addf %add3A_22, %get3A_25 : vector<128x128xf32>
    %mul3A = vector.broadcast %rsqrt3A : vector<128x1xf32> to vector<128x128xf32>
    %mul3A_27 = arith.mulf %mul3A, %add3A_26 : vector<128x128xf32>
    %get3A_28 = arith.constant 0 : index
    %get3A_29 = arith.constant 0 : index
    %get3A_30 = vector.load %arg4[%get3A_28, %get3A_29] : memref<1x128xf32, #tpu.memory_space<vmem>>, vector<1x128xf32>
    %add3A_31 = vector.broadcast %get3A_30 : vector<1x128xf32> to vector<128x128xf32>
    %add3A_32 = arith.addf %mul3A_27, %add3A_31 : vector<128x128xf32>
    %swap3A = arith.constant 0 : index
    %swap3A_33 = arith.constant 0 : index
    %swap3A_34 = vector.load %arg5[%swap3A, %swap3A_33] : memref<128x128xf32, #tpu.memory_space<vmem>>, vector<128x128xf32>
    tpu.vector_store %arg5[%swap3A, %swap3A_33], %add3A_32 {strides = array<i32>} : memref<128x128xf32, #tpu.memory_space<vmem>>, vector<128x128xf32>,
    return
  }
  func.func @transform_0(%arg0: i32) -> (i32, i32, i32) {
    %c0_i32 = arith.constant 0 : i32
    %c0_i32_0 = arith.constant 0 : i32
    %c0_i32_1 = arith.constant 0 : i32
    return %c0_i32, %arg0, %c0_i32_0 : i32, i32, i32
  }
  func.func @transform_1(%arg0: i32) -> (i32, i32) {
    %c0_i32 = arith.constant 0 : i32
    %c0_i32_0 = arith.constant 0 : i32
    return %arg0, %c0_i32 : i32, i32
  }
  func.func @transform_2(%arg0: i32) -> (i32, i32, i32) {
    %c0_i32 = arith.constant 0 : i32
    %c0_i32_0 = arith.constant 0 : i32
    %c0_i32_1 = arith.constant 0 : i32
    return %c0_i32, %arg0, %c0_i32_0 : i32, i32, i32
  }
  func.func @transform_3(%arg0: i32) -> (i32, i32) {
    %c0_i32 = arith.constant 0 : i32
    %c0_i32_0 = arith.constant 0 : i32
    %c0_i32_1 = arith.constant 0 : i32
    return %c0_i32, %c0_i32_0 : i32, i32
  }
  func.func @transform_4(%arg0: i32) -> (i32, i32) {
    %c0_i32 = arith.constant 0 : i32
    %c0_i32_0 = arith.constant 0 : i32
    return %arg0, %c0_i32 : i32, i32
  }
}

</mosaic_0001>

<sc_bundles>
// kernel: gather_offload_async_start
scs
__scs_entry_jumppad:
0x0: {  	(pc) =	sbr.rel $0x88, $3  }
0x1: {  	(tag) =	ssettag $0x0;
	lr =	simm.s32 $0x1  }
0x2: {  	[smem:$0x3F9A] =	sst lr;
	_ =	strace $0xD0000000  }
0x3: {  	_ = 	snop  }
0x4: {  	_ = 	snop  }
0x5: {  	_ = 	snop  }
0x6: {  	_ = 	snop  }
0x7: {  	_ = 	snop  }
__scs_overlays_trampoline_lowered:
0x8: {  	[smem:$0x3FA9] =	sst s0  }
0x9: {  	[smem:$0x3FAA] =	sst s1  }
0xa: {  	[smem:$0x3FAB] =	sst s2  }
0xb: {  	[smem:$0x3FAC] =	sst s3  }
0xc: {  	[smem:$0x3FAD] =	sst s4  }
0xd: {  	[smem:$0x3FAE] =	sst s5  }
0xe: {  	[smem:$0x3FAF] =	sst s6  }
0xf: {  	[smem:$0x3FB0] =	sst s7  }
0x10: {  	[smem:$0x3FB1] =	sst s8  }
0x11: {  	[smem:$0x3FB2] =	sst s9;
	s0 =	simm.s32 @!p0 $0x0  }
0x12: {  	s1 =	sld [smem:$0x3F98];
	s0 =	simm.s32 @p0 $0x1  }
0x13: {  	[smem:$0x3FB3] =	sst s0;
	s0 =	simm.s32 @!p1 $0x0  }
0x14: {  	s2 =	sld [smem:$0x3F97];
	s0 =	simm.s32 @p1 $0x1  }
0x15: {  	[smem:$0x3FB4] =	sst s0;
	s0 =	simm.s32 @!p2 $0x0  }
0x16: {  	s3 =	sld [smem:$0x3FDB];
	s0 =	simm.s32 @p2 $0x1  }
0x17: {  	s4 =	simm.s32 $0x1BF5;
	[smem:$0x3FB6] =	sst s0  }
0x18: {  	s0 =	sld [smem:$0x3F99];
	_ =	swait.ge [sflag:s4], $0x0  }
0x19: {  	s7 =	sld [smem:$0x3F9A]  }
0x1a: {  	s8 =	sadd.s32 $0xFFFFE003, lr  }
0x1b: {  	s9 =	sadd.s32 $0xFFFFFEF7, lr;
	s5 =	simm.s32 $0xFFFFFFFF;
	p2 =	slt.u32 s8, $0xFFFFF086  }
0x1c: {  	p1 =	slt.u32 s9, $0xF7A;
	s5 =	simm.s32 @!p2 $0x0  }
0x1d: {  	s5 =	simm.s32 @p1 $0x1;
	p0 =	seq.s32 s7, s2  }
0x1e: {  	s7 =	smul.u32 @!p0 $0xF7A, s2;
	p2 =	seq.s32 @!p0 s5, $0x0  }
0x1f: {  	s9 =	smul.u32 $0xF7A, s1;
	s8 =	simm.s32 @!p0 $0x1BF5;
	p2 =	por !p2, p0  }
0x20: {  	[sflag:s8] =	ssyncset.s32 @!p0 $0xFFFFF086;
	s6 =	sadd.s32 @!p0 s3, s7;
	s7 =	simm.s32 @!p0 $0x108  }
0x21: {  	s3 =	sadd.s32 s3, s9;
	s6 =	sadd.s32 @!p0 $0x88, s6;
	s7 =	simm.s32 @p2 $0x1082  }
0x22: {  	[simem:s7], [sflag:s8] =	dma.local @!p0 [hbm:s6], $0xF7A  }
0x23: {  	s9 =	sor.u32 $0xD0000000, s2;
	s6 =	simm.s32 $0x108;
	_ =	swait.ge @!p0 [sflag:s8], $0x0  }
0x24: {  	s3 =	sadd.s32 $0x88, s3;
	s6 =	simm.s32 @!p1 $0x1082;
	[sflag:s4] =	ssyncset.s32 $0xFFFFF086  }
0x25: {  	[simem:s6], [sflag:s4] =	dma.local [hbm:s3], $0xF7A  }
0x26: {  	[smem:$0x3F9A] =	sst s1;
	(tag) =	ssettag s2;
	_ =	strace s9  }
0x27: {  	s1 =	sld [smem:$0x3FAA]  }
0x28: {  	s2 =	sld [smem:$0x3FAB]  }
0x29: {  	s4 =	sld [smem:$0x3FAD]  }
0x2a: {  	p0 =	seq.s32 s5, $0x0;
	s5 =	sld [smem:$0x3FAE]  }
0x2b: {  	s6 =	sld [smem:$0x3FAF]  }
0x2c: {  	s7 =	sld [smem:$0x3FB0]  }
0x2d: {  	s3 =	simm.s32 $0x108;
	s8 =	sld [smem:$0x3FB1]  }
0x2e: {  	s3 =	simm.s32 @!p0 $0x1082;
	s9 =	sld [smem:$0x3FB2]  }
0x2f: {  	lr =	sadd.s32 s0, s3;
	s0 =	sld [smem:$0x3FA9]  }
0x30: {  	s3 =	sld [smem:$0x3FAC]  }
0x31: {  	[smem:$0x3FB5] =	sst s10  }
0x32: {  	s10 =	sld [smem:$0x3FB3];
	_ =	sdelay $0x3  }
0x33: {  	p0 =	seq.s32 s10, $0x1;
	s10 =	sld [smem:$0x3FB5];
	_ =	sdelay $0x3  }
0x34: {  	[smem:$0x3FB5] =	sst s10  }
0x35: {  	s10 =	sld [smem:$0x3FB4];
	_ =	sdelay $0x3  }
0x36: {  	p1 =	seq.s32 s10, $0x1;
	s10 =	sld [smem:$0x3FB5];
	_ =	sdelay $0x3  }
0x37: {  	[smem:$0x3FB5] =	sst s10  }
0x38: {  	s10 =	sld [smem:$0x3FB6]  }
0x39: {  	_ = 	snop;
	(pc) =	sbr.ind lr, $3  }
0x3a: {  	_ = 	snop  }
0x3b: {  	_ = 	snop  }
0x3c: {  	p2 =	seq.s32 s10, $0x1;
	s10 =	sld [smem:$0x3FB5]  }
0x3d: {  	_ =	shalt  }
0x3e: {  	_ =	shalt  }
0x3f: {  	_ =	shalt  }
0x40: {  	_ =	shalt  }
0x41: {  	_ =	shalt  }
0x42: {  	_ =	shalt  }
0x43: {  	_ =	shalt  }
0x44: {  	_ =	shalt  }
0x45: {  	_ =	shalt  }
0x46: {  	_ =	shalt  }
0x47: {  	_ =	shalt  }
0x48: {  	_ =	shalt  }
0x49: {  	_ =	shalt  }
0x4a: {  	_ =	shalt  }
0x4b: {  	_ =	shalt  }
0x4c: {  	_ =	shalt  }
0x4d: {  	_ =	shalt  }
0x4e: {  	_ =	shalt  }
0x4f: {  	_ =	shalt  }
0x50: {  	_ =	shalt  }
0x51: {  	_ =	shalt  }
0x52: {  	_ =	shalt  }
0x53: {  	_ =	shalt  }
0x54: {  	_ =	shalt  }
0x55: {  	_ =	shalt  }
0x56: {  	_ =	shalt  }
0x57: {  	_ =	shalt  }
0x58: {  	_ =	shalt  }
0x59: {  	_ =	shalt  }
0x5a: {  	_ =	shalt  }
0x5b: {  	_ =	shalt  }
0x5c: {  	_ =	shalt  }
0x5d: {  	_ =	shalt  }
0x5e: {  	_ =	shalt  }
0x5f: {  	_ =	shalt  }
0x60: {  	_ =	shalt  }
0x61: {  	_ =	shalt  }
0x62: {  	_ =	shalt  }
0x63: {  	_ =	shalt  }
0x64: {  	_ =	shalt  }
0x65: {  	_ =	shalt  }
0x66: {  	_ =	shalt  }
0x67: {  	_ =	shalt  }
0x68: {  	_ =	shalt  }
0x69: {  	_ =	shalt  }
0x6a: {  	_ =	shalt  }
0x6b: {  	_ =	shalt  }
0x6c: {  	_ =	shalt  }
0x6d: {  	_ =	shalt  }
0x6e: {  	_ =	shalt  }
0x6f: {  	_ =	shalt  }
0x70: {  	_ =	shalt  }
0x71: {  	_ =	shalt  }
0x72: {  	_ =	shalt  }
0x73: {  	_ =	shalt  }
0x74: {  	_ =	shalt  }
0x75: {  	_ =	shalt  }
0x76: {  	_ =	shalt  }
0x77: {  	_ =	shalt  }
0x78: {  	_ =	shalt  }
0x79: {  	_ =	shalt  }
0x7a: {  	_ =	shalt  }
0x7b: {  	_ =	shalt  }
0x7c: {  	_ =	shalt  }
0x7d: {  	_ =	shalt  }
0x7e: {  	_ =	shalt  }
0x7f: {  	_ =	shalt  }
0x80: {  	_ =	shalt  }
0x81: {  	_ =	shalt  }
0x82: {  	_ =	shalt  }
0x83: {  	_ =	shalt  }
0x84: {  	_ =	shalt  }
0x85: {  	_ =	shalt  }
0x86: {  	_ =	shalt  }
0x87: {  	_ =	shalt  }
.Lfunc_end0:
.L_simem_size_0:
called_computation_lowered:
.L_overlay_start_0:
0x88: {  	s0 =	sld [smem:$0x3FD9]  }
0x89: {  	s1 =	sld [smem:$0x3FFE];
	_ =	sdelay $0x3  }
0x8a: {  	s0 =	sadd.s32 s1, s0  }
0x8b: {  	[smem:$0x3FC1] =	sst s0  }
0x8c: {  	_ = 	snop  }
0x8d: {  	s0 =	sld [smem:$0x3FD0];
	_ =	sdelay $0x2  }
0x8e: {  	s2 =	simm.s32 $0xB;
	s3 =	simm.s32 $0x10;
	s13 =	sld [smem:$0x3FC7]  }
0x8f: {  	[smem:s3], [sflag:s2] =	dma.local [hbm:s0], $0x1  }
0x90: {  	_ =	swait.eq [sflag:s2], $0x1  }
0x91: {  	[sflag:s2] =	ssyncset.done $0x0  }
0x92: {  	[sflag:s2] =	ssyncadd.s32 $0xFFFFFFFF  }
0x93: {  	s14 =	sld [smem:$0x11];
	(tm) =	ssettm $0x1  }
0x94: {  	s15 =	sld [smem:$0x3FFB];
	_ =	sdelay $0x3  }
0x95: {  	_ =	strace s15  }
0x96: {  	s2 =	sld [smem:$0x3FFC];
	_ =	sdelay $0x3  }
0x97: {  	_ =	strace s2  }
0x98: {  	s2 =	sld [smem:$0x3FFD];
	_ =	sdelay $0x3  }
0x99: {  	_ =	strace s2  }
0x9a: {  	_ =	strace $0x8FFFFFFF  }
0x9b: {  	s16 =	sld [smem:$0x3FDB];
	_ =	sdelay $0x1  }
0x9c: {  	s17 =	simm.s32 $_scs_section_size  }
0x9d: {  	s4 =	simm.s32 $_size__tile_overlayer_lowered;
	s5 =	simm.s32 $_tile_overlayer_lowered  }
0x9e: {  	s20 =	simm.s32 $0x1BFF;
	s19 =	sshll.u32 s5, $0x1;
	s2 =	sadd.s32 s17, s16  }
0x9f: {  	s6 =	simm.s32 $0x0;
	s18 =	sshll.u32 s4, $0x1;
	s4 =	sadd.s32 s19, s2  }
0xa0: {  	[timem:s6], [sflag:s20] =	dma.local [hbm:s4], s18  }
0xa1: {  	_ =	swait.ge [sflag:s20], s18  }
0xa2: {  	s3 =	ssub.s32 $0x0, s18;
	[sflag:s20] =	ssyncset.done $0x0  }
0xa3: {  	[sflag:s20] =	ssyncadd.s32 s3;
	_ =	sdelay $0x1  }
0xa4: {  	s21 =	simm.s32 $0x1B8B  }
0xa5: {  	_ =	swait.ge [sflag:s21], $0x1  }
0xa6: {  	[sflag:s21] =	ssyncset.done $0x0  }
0xa7: {  	s23 =	simm.s32 $0x1B8E;
	s22 =	sld [smem:$0x3FFE];
	[sflag:s21] =	ssyncadd.s32 $0xFFFFFFFF  }
0xa8: {  	s24 =	simm.s32 $execute0_lowered;
	[smem:$0x3FD2] =	sst s23  }
0xa9: {  	s4 =	sshll.u32 s24, $0x1;
	_ =	strace $0x80000046;
	[dreg:$0x1] =	wrdreg $0xFFFFFFFF  }
0xaa: {  	s25 =	simm.s32 $_size_execute0_lowered;
	s2 =	sadd.s32 s2, s4;
	[dreg:$0x0] =	wrdreg $0x0  }
0xab: {  	s4 =	sshll.u32 s25, $0x1;
	[dreg:$0x2] =	wrdreg s2  }
0xac: {  	[dreg:$0x3] =	wrdreg s4  }
0xad: {  	[dreg:$0x4] =	wrdreg $0xC0  }
0xae: {  	_ =	task [dreg:s6], $0x5FFFF  }
0xaf: {  	[dreg:$0x1] =	wrdreg $0xFFFFFFFF  }
0xb0: {  	[dreg:$0x0] =	wrdreg $0x60  }
0xb1: {  	[dreg:$0x2] =	wrdreg s13  }
0xb2: {  	[dreg:$0x3] =	wrdreg s22  }
0xb3: {  	[dreg:$0x4] =	wrdreg s14  }
0xb4: {  	[dreg:$0x5] =	wrdreg $0x9  }
0xb5: {  	_ =	task.clear_ibuf [dreg:s6], $0x6FFFF;
	_ =	strace $0x90000046  }
0xb6: {  	s26 =	simm.s32 $0x9;
	_ =	strace $0x80000048  }
0xb7: {  	_ =	swait.ge [sflag:s26], $0x1  }
0xb8: {  	[sflag:s26] =	ssyncadd.s32 $0xFFFFFFFF  }
0xb9: {  	_ =	strace $0x90000048  }
0xba: {  	_ =	sfence  }
0xbb: {  	s28 =	sld [smem:$0x0];
	_ =	sdelay $0x1  }
0xbc: {  	s29 =	srdreg.scid  }
0xbd: {  	s30 =	sshll.u32 s29, $0xD;
	s31 =	sshrl.u32 s29, $0x2  }
0xbe: {  	s1 =	sand.u32 $0x1, s29;
	s2 =	sand.u32 $0x4000, s30;
	s0 =	sadd.s32 s31, s28  }
0xbf: {  	s1 =	sor.u32 s2, s1;
	s0 =	sshll.u32 s0, $0x11  }
0xc0: {  	s0 =	sor.u32 s0, s1  }
0xc1: {  	s0 =	sadd.s32 $0x8F2B, s0  }
0xc2: {  	[sflag:s0] =	ssyncadd.remote.s32 $0x1  }
0xc3: {  	_ =	sfence.sel $0xFFFF  }
0xc4: {  	[dreg:$0x0] =	wrdreg $0xFFFFFFFF;
	(pc) =	sbr.abs _section_cstart, $3  }
0xc5: {  	[dreg:$0x1] =	wrdreg $0xFFFFFFFF  }
0xc6: {  	_ =	task.clear_ibuf [dreg:s6], $0x2FFFF;
	_ =	strace $0x9FFFFFFF  }
0xc7: {  	(tm) =	ssettm $0x7FFFFFFF  }
tec
execute0_lowered:
.L_overlay_start_1:
0x0: {  	(tag) =	ssettag $0x1  }
0x1: {  	s0 =	stileid.u32  }
0x2: {  	s1 =	smin.u32 s0, $0x9  }
0x3: {  	s1 =	sadd.s32 s0, s1  }
0x4: {  	s2 =	simm.s32 $0x320;
	p0 =	slt.u32 s0, $0x9;
	s1 =	smul.u32 $0x190, s1  }
0x5: {  	s2 =	simm.s32 @!p0 $0x190  }
0x6: {  	s2 =	sadd.s32 s2, s1  }
0x7: {  	s3 =	smin.u32 s2, $0x2710  }
0x8: {  	s7 =	ssub.s32 s3, s1  }
0x9: {  	p0 =	sgt.s32 s7, $0x0  }
0xa: {  	s7 =	simm.s32 @!p0 $0x0  }
0xb: {  	s31 =	sand.u32 $0xFFF0, s7  }
0xc: {  	s4 =	rddreg [dreg:$0x0];
	s2 =	sshrl.u32 s31, $0x4  }
0xd: {  	s9 =	rddreg [dreg:$0x1];
	s2 =	smul.u32 $0xA3E, s2  }
0xe: {  	s5 =	rddreg [dreg:$0x2]  }
0xf: {  	s6 =	simm.s32 $0x1;
	s11 =	simm.s32 $0x3;
	s8 =	sshrl.u32 s2, $0x10  }
0x10: {  	s13 =	simm.s32 $0x0;
	s12 =	simm.s32 $0x0;
	s10 =	smul.u32 $0x190, s8  }
.Ltmp0:
0x11: {  	s9 =	sadd.s32 $0x2200, s9;
	s2 =	rddreg [dreg:$0x3];
	(pc) =	sbr.rel .LBB2_1-.Ltmp0, $4  }
0x12: {  	_ =	strace $0x80000047;
	p0 =	sne.s32 s7, s10;
	s10 =	simm.s32 $0x1  }
0x13: {  	[sflag:s6] =	ssyncpa.u1 $0x0;
	s7 =	simm.s32 $0x2;
	s10 =	simm.s32 @!p0 $0x0  }
0x14: {  	[sflag:s7] =	ssyncpa.u1 $0x0;
	p0 =	por $0x0, $0x0;
	s8 =	sadd.s32 s8, s10  }
0x15: {  	vm0 =	vmmov $0xff;
	vm1 =	vcmask $0x3F20;
	[sflag:s11] =	ssyncpa.u1 $0x0;
	s11 =	smov.u32 s1;
	s10 =	sadd.s32 $0x1, s8  }
.LBB2_6:
0x16: {  	[hbm:s17] =	stream.linear.scatter [tilespmem:s14], [sflag:$0x3], $0x400, $0x38;
	[tilespmem:$0x19320] =	vst v63  }
.LBB2_7:
0x17: {  	s13 =	sadd.s32 $0x190, s11  }
0x18: {  	s15 =	smov.u32 s1;
	p2 =	slt.s32 s13, s3  }
0x19: {  	s15 =	smov.u32 @p2 s13;
	p2 =	sne.s32 s12, s10  }
.Ltmp1:
0x1a: {  	p1 =	slt.u32 s12, $0x2;
	(pc) =	sbr.rel @!p2 .LBB2_8-.Ltmp1, $4  }
0x1b: {  	s14 =	simm.s32 @!p1 $0x3  }
0x1c: {  	s16 =	sadd.s32 $0x1, s12;
	_ =	swait.ge @!p1 [sflag:s14], $0xC800  }
0x1d: {  	p0 =	por !p0, !p0;
	s13 =	smov.u32 s11;
	[sflag:s14] =	ssyncset.done @!p1 $0x0  }
0x1e: {  	s12 =	smov.u32 s16;
	s11 =	smov.u32 s15;
	[sflag:s14] =	ssyncadd.s32 @!p1 $0xFFFF3800  }
.LBB2_1:
0x1f: {  	p1 =	sge.u32 s12, s8  }
0x20: {  	s14 =	sxor.u32 @!p1 $0xFFFFFFFF, s12  }
0x21: {  	s14 =	sand.u32 @!p1 $0x1, s14  }
0x22: {  	s14 =	smul.u32 @!p1 $0x640, s14  }
0x23: {  	s31 =	sadd.s32 $0xFFFFFFFF, s12;
	s15 =	sshrl.u32 @!p1 s11, $0x3  }
0x24: {  	s16 =	sand.u32 @!p1 $0x7, s11;
	s15 =	sadd.s32 @!p1 s9, s15;
	s14 =	sshrl.u32 @!p1 s14, $0x2  }
0x25: {  	[tilespmem:s14], [sflag:$0x2] =	stream.linear.gather @!p1 [hbm4b:s15+s16], $0x190, $0x38;
	[tilespmem:$0x19320] =	vst v63  }
0x26: {  	p1 =	sge.u32 s31, s8  }
.Ltmp2:
0x27: {  	_ = 	snop;
	(pc) =	sbr.rel @p1 .LBB2_7-.Ltmp2, $1  }
0x28: {  	_ =	sdelay $0x3  }
0x29: {  	s14 =	simm.s32 $0x1  }
0x2a: {  	s14 =	simm.s32 @!p0 $0x0  }
0x2b: {  	s15 =	smul.u32 $0x640, s14  }
0x2c: {  	_ =	swait.ge [sflag:s7], $0x190  }
0x2d: {  	[sflag:s7] =	ssyncset.done $0x0;
	s16 =	sshrl.u32 s15, $0x2  }
0x2e: {  	[sflag:s7] =	ssyncadd.s32 $0xFFFFFE70;
	s15 =	sadd.s32 $0x0, s16  }
0x2f: {  	v0 =	vld.msk [tilespmem:s15+$0x0 ss:$0x1], $0xffff;
	_ =	sdelay $0x4  }
0x30: {  	vm2 =	vgt.s32 v0, $0x0  }
0x31: {  	v0 =	vnsel vm2, $0x0, v0  }
0x32: {  	v0 =	vmin.u32 v0, $0x270F  }
0x33: {  	v0 =	vshll.u32 v0, $0x4  }
0x34: {  	s14 =	smul.u32 $0x32000, s14;
	_ =	sdelay $0x1  }
0x35: {  	s14 =	sshrl.u32 s14, $0x2  }
0x36: {  	s14 =	sor.u32 $0x320, s14  }
0x37: {  	[tilespmem:s14], [sflag:$0x1] =	stream.indirect_vreg.gather [hbm:s4], $0x80, v0, vm0, $0x38;
	[tilespmem:$0x19320] =	vst v63  }
0x38: {  	s17 =	sadd.s32 $0x10, s16;
	s15 =	sadd.s32 $0x400, s14  }
0x39: {  	[tilespmem:s15], [sflag:$0x1] =	stream.indirect_vreg.gather [hbm:s4], $0x80, v0, vm1, $0x38;
	[tilespmem:$0x19320] =	vst v63  }
0x3a: {  	s18 =	simm.s32 $0x80;
	v0 =	vld.msk [tilespmem:s17+$0x0 ss:$0x1], $0xffff;
	s17 =	smov.u32 s14  }
.LBB2_3:
0x3b: {  	p1 =	sne.s32 s18, $0x600;
	_ =	sdelay $0x4  }
0x3c: {  	vm2 =	vgt.s32 v0, $0x0  }
0x3d: {  	v0 =	vnsel vm2, $0x0, v0  }
0x3e: {  	v0 =	vmin.u32 v0, $0x270F  }
0x3f: {  	v0 =	vshll.u32 v0, $0x4;
	_ =	sdelay $0x3  }
.Ltmp3:
0x40: {  	s19 =	sshra.s32 s18, $0x2;
	s17 =	sadd.s32 $0x800, s17;
	(pc) =	sbr.rel @p1 .LBB2_3-.Ltmp3, $4  }
0x41: {  	[tilespmem:s17], [sflag:$0x1] =	stream.indirect_vreg.gather [hbm:s4], $0x80, v0, vm0, $0x38;
	[tilespmem:$0x19320] =	vst v63  }
0x42: {  	s19 =	sadd.s32 s19, s16;
	s20 =	sadd.s32 $0x400, s17  }
0x43: {  	[tilespmem:s20], [sflag:$0x1] =	stream.indirect_vreg.gather [hbm:s4], $0x80, v0, vm1, $0x38;
	[tilespmem:$0x19320] =	vst v63  }
0x44: {  	s18 =	sadd.s32 $0x40, s18;
	v0 =	vld.msk [tilespmem:s19+$0x0 ss:$0x1], $0xffff  }
0x45: {  	_ =	sdelay $0x3  }
0x46: {  	vm2 =	vgt.s32 v0, $0x0  }
0x47: {  	v0 =	vnsel vm2, $0x0, v0  }
0x48: {  	v0 =	vmin.u32 v0, $0x270F  }
0x49: {  	v0 =	vshll.u32 v0, $0x4;
	_ =	sdelay $0x3  }
0x4a: {  	s16 =	sadd.s32 $0x800, s17  }
0x4b: {  	[tilespmem:s16], [sflag:$0x1] =	stream.indirect_vreg.gather [hbm:s4], $0x80, v0, vm0, $0x38;
	[tilespmem:$0x19320] =	vst v63  }
0x4c: {  	s16 =	sadd.s32 $0x400, s16  }
0x4d: {  	[tilespmem:s16], [sflag:$0x1] =	stream.indirect_vreg.gather [hbm:s4], $0x80, v0, vm1, $0x38;
	[tilespmem:$0x19320] =	vst v63  }
0x4e: {  	s13 =	sshll.u32 s13, $0x4;
	_ =	swait.ge [sflag:s6], $0xC800  }
0x4f: {  	s13 =	sadd.s32 s13, s5;
	[sflag:s6] =	ssyncset.done $0x0  }
0x50: {  	s17 =	sadd.s32 $0x0, s13;
	s16 =	simm.s32 $0x80;
	[sflag:s6] =	ssyncadd.s32 $0xFFFF3800  }
.LBB2_5:
0x51: {  	[hbm:s17] =	stream.linear.scatter [tilespmem:s14], [sflag:$0x3], $0x400, $0x38;
	[tilespmem:$0x19320] =	vst v63  }
0x52: {  	s17 =	smov.u32 s16;
	s14 =	smov.u32 s15;
	p1 =	sne.s32 s16, $0x1880  }
.Ltmp4:
0x53: {  	s16 =	sadd.s32 $0x80, s16;
	(pc) =	sbr.rel @p1 .LBB2_5-.Ltmp4, $2  }
0x54: {  	_ =	sdelay $0x2  }
0x55: {  	s15 =	sadd.s32 $0x400, s15;
	s17 =	sadd.s32 s17, s13  }
.Ltmp5:
0x56: {  	_ = 	snop;
	(pc) =	sbr.rel .LBB2_6-.Ltmp5, $1  }
0x57: {  	_ =	sdelay $0x3  }
.LBB2_8:
0x58: {  	_ =	sfence.sel $0x180000  }
0x59: {  	s1 =	simm.s32 $0x2;
	[bflag:$0x0] =	sbarrier.arrive $0xFFFF  }
0x5a: {  	s30 =	simm.s32 $0x3;
	[sflag:s1] =	ssyncpa.u1 $0x1  }
0x5b: {  	s31 =	simm.s32 $0x1;
	[sflag:s30] =	ssyncpa.u1 $0x1  }
0x5c: {  	[sflag:s31] =	ssyncpa.u1 $0x1  }
0x5d: {  	p0 =	sne.s32 s0, $0x0;
	_ =	strace $0x90000047  }
0x5e: {  	s0 =	sadd.s32 @!p0 $0x100000, s2;
	[bflag:$0x2] =	sbarrier.arrive $0xFFFF  }
0x5f: {  	[sflag:s0] =	ssyncadd.tile.s32 @!p0 $0x1;
	_ =	shalt  }
.Lfunc_end2:
_tile_overlayer_lowered:
.L_overlay_start_2:
0x60: {  	(tag) =	ssettag $0x2  }
0x61: {  	s0 =	rddreg [dreg:$0x0];
	s2 =	stileid.u32  }
0x62: {  	s1 =	rddreg [dreg:$0x1];
	p0 =	sne.s32 s2, $0x0  }
0x63: {  	s3 =	rddreg [dreg:$0x2];
	[bflag:$0x3] =	sbarrier.arrive $0xFFFF;
	s2 =	simm.s32 @!p0 $0x1C01  }
0x64: {  	[timem:s3], [sflag:s2] =	dma.local @!p0 [hbm:s0], s1  }
0x65: {  	s0 =	simm.s32 @!p0 $0x1  }
0x66: {  	_ =	swait.ge @!p0 [sflag:s0], s1  }
0x67: {  	s1 =	ssub.s32 @!p0 $0x0, s1;
	[sflag:s0] =	ssyncset.done @!p0 $0x0  }
0x68: {  	[sflag:s0] =	ssyncadd.s32 @!p0 s1  }
0x69: {  	[bflag:$0x3] =	sbarrier.arrive $0xFFFF  }
0x6a: {  	_ =	shalt  }

// kernel: kernel.11.cloned.1.call-start
scs
__scs_entry_jumppad:
0x0: {  	(pc) =	sbr.rel $0x88, $3  }
0x1: {  	(tag) =	ssettag $0x0;
	lr =	simm.s32 $0x1  }
0x2: {  	[smem:$0x3F9A] =	sst lr;
	_ =	strace $0xD0000000  }
0x3: {  	_ = 	snop  }
0x4: {  	_ = 	snop  }
0x5: {  	_ = 	snop  }
0x6: {  	_ = 	snop  }
0x7: {  	_ = 	snop  }
__scs_overlays_trampoline_lowered:
0x8: {  	[smem:$0x3FA9] =	sst s0  }
0x9: {  	[smem:$0x3FAA] =	sst s1  }
0xa: {  	[smem:$0x3FAB] =	sst s2  }
0xb: {  	[smem:$0x3FAC] =	sst s3  }
0xc: {  	[smem:$0x3FAD] =	sst s4  }
0xd: {  	[smem:$0x3FAE] =	sst s5  }
0xe: {  	[smem:$0x3FAF] =	sst s6  }
0xf: {  	[smem:$0x3FB0] =	sst s7  }
0x10: {  	[smem:$0x3FB1] =	sst s8  }
0x11: {  	[smem:$0x3FB2] =	sst s9;
	s0 =	simm.s32 @!p0 $0x0  }
0x12: {  	s1 =	sld [smem:$0x3F98];
	s0 =	simm.s32 @p0 $0x1  }
0x13: {  	[smem:$0x3FB3] =	sst s0;
	s0 =	simm.s32 @!p1 $0x0  }
0x14: {  	s2 =	sld [smem:$0x3F97];
	s0 =	simm.s32 @p1 $0x1  }
0x15: {  	[smem:$0x3FB4] =	sst s0;
	s0 =	simm.s32 @!p2 $0x0  }
0x16: {  	s3 =	sld [smem:$0x3FDB];
	s0 =	simm.s32 @p2 $0x1  }
0x17: {  	s4 =	simm.s32 $0x1BF5;
	[smem:$0x3FB6] =	sst s0  }
0x18: {  	s0 =	sld [smem:$0x3F99];
	_ =	swait.ge [sflag:s4], $0x0  }
0x19: {  	s7 =	sld [smem:$0x3F9A]  }
0x1a: {  	s8 =	sadd.s32 $0xFFFFE003, lr  }
0x1b: {  	s9 =	sadd.s32 $0xFFFFFEF7, lr;
	s5 =	simm.s32 $0xFFFFFFFF;
	p2 =	slt.u32 s8, $0xFFFFF086  }
0x1c: {  	p1 =	slt.u32 s9, $0xF7A;
	s5 =	simm.s32 @!p2 $0x0  }
0x1d: {  	s5 =	simm.s32 @p1 $0x1;
	p0 =	seq.s32 s7, s2  }
0x1e: {  	s7 =	smul.u32 @!p0 $0xF7A, s2;
	p2 =	seq.s32 @!p0 s5, $0x0  }
0x1f: {  	s9 =	smul.u32 $0xF7A, s1;
	s8 =	simm.s32 @!p0 $0x1BF5;
	p2 =	por !p2, p0  }
0x20: {  	[sflag:s8] =	ssyncset.s32 @!p0 $0xFFFFF086;
	s6 =	sadd.s32 @!p0 s3, s7;
	s7 =	simm.s32 @!p0 $0x108  }
0x21: {  	s3 =	sadd.s32 s3, s9;
	s6 =	sadd.s32 @!p0 $0x88, s6;
	s7 =	simm.s32 @p2 $0x1082  }
0x22: {  	[simem:s7], [sflag:s8] =	dma.local @!p0 [hbm:s6], $0xF7A  }
0x23: {  	s9 =	sor.u32 $0xD0000000, s2;
	s6 =	simm.s32 $0x108;
	_ =	swait.ge @!p0 [sflag:s8], $0x0  }
0x24: {  	s3 =	sadd.s32 $0x88, s3;
	s6 =	simm.s32 @!p1 $0x1082;
	[sflag:s4] =	ssyncset.s32 $0xFFFFF086  }
0x25: {  	[simem:s6], [sflag:s4] =	dma.local [hbm:s3], $0xF7A  }
0x26: {  	[smem:$0x3F9A] =	sst s1;
	(tag) =	ssettag s2;
	_ =	strace s9  }
0x27: {  	s1 =	sld [smem:$0x3FAA]  }
0x28: {  	s2 =	sld [smem:$0x3FAB]  }
0x29: {  	s4 =	sld [smem:$0x3FAD]  }
0x2a: {  	p0 =	seq.s32 s5, $0x0;
	s5 =	sld [smem:$0x3FAE]  }
0x2b: {  	s6 =	sld [smem:$0x3FAF]  }
0x2c: {  	s7 =	sld [smem:$0x3FB0]  }
0x2d: {  	s3 =	simm.s32 $0x108;
	s8 =	sld [smem:$0x3FB1]  }
0x2e: {  	s3 =	simm.s32 @!p0 $0x1082;
	s9 =	sld [smem:$0x3FB2]  }
0x2f: {  	lr =	sadd.s32 s0, s3;
	s0 =	sld [smem:$0x3FA9]  }
0x30: {  	s3 =	sld [smem:$0x3FAC]  }
0x31: {  	[smem:$0x3FB5] =	sst s10  }
0x32: {  	s10 =	sld [smem:$0x3FB3];
	_ =	sdelay $0x3  }
0x33: {  	p0 =	seq.s32 s10, $0x1;
	s10 =	sld [smem:$0x3FB5];
	_ =	sdelay $0x3  }
0x34: {  	[smem:$0x3FB5] =	sst s10  }
0x35: {  	s10 =	sld [smem:$0x3FB4];
	_ =	sdelay $0x3  }
0x36: {  	p1 =	seq.s32 s10, $0x1;
	s10 =	sld [smem:$0x3FB5];
	_ =	sdelay $0x3  }
0x37: {  	[smem:$0x3FB5] =	sst s10  }
0x38: {  	s10 =	sld [smem:$0x3FB6]  }
0x39: {  	_ = 	snop;
	(pc) =	sbr.ind lr, $3  }
0x3a: {  	_ = 	snop  }
0x3b: {  	_ = 	snop  }
0x3c: {  	p2 =	seq.s32 s10, $0x1;
	s10 =	sld [smem:$0x3FB5]  }
0x3d: {  	_ =	shalt  }
0x3e: {  	_ =	shalt  }
0x3f: {  	_ =	shalt  }
0x40: {  	_ =	shalt  }
0x41: {  	_ =	shalt  }
0x42: {  	_ =	shalt  }
0x43: {  	_ =	shalt  }
0x44: {  	_ =	shalt  }
0x45: {  	_ =	shalt  }
0x46: {  	_ =	shalt  }
0x47: {  	_ =	shalt  }
0x48: {  	_ =	shalt  }
0x49: {  	_ =	shalt  }
0x4a: {  	_ =	shalt  }
0x4b: {  	_ =	shalt  }
0x4c: {  	_ =	shalt  }
0x4d: {  	_ =	shalt  }
0x4e: {  	_ =	shalt  }
0x4f: {  	_ =	shalt  }
0x50: {  	_ =	shalt  }
0x51: {  	_ =	shalt  }
0x52: {  	_ =	shalt  }
0x53: {  	_ =	shalt  }
0x54: {  	_ =	shalt  }
0x55: {  	_ =	shalt  }
0x56: {  	_ =	shalt  }
0x57: {  	_ =	shalt  }
0x58: {  	_ =	shalt  }
0x59: {  	_ =	shalt  }
0x5a: {  	_ =	shalt  }
0x5b: {  	_ =	shalt  }
0x5c: {  	_ =	shalt  }
0x5d: {  	_ =	shalt  }
0x5e: {  	_ =	shalt  }
0x5f: {  	_ =	shalt  }
0x60: {  	_ =	shalt  }
0x61: {  	_ =	shalt  }
0x62: {  	_ =	shalt  }
0x63: {  	_ =	shalt  }
0x64: {  	_ =	shalt  }
0x65: {  	_ =	shalt  }
0x66: {  	_ =	shalt  }
0x67: {  	_ =	shalt  }
0x68: {  	_ =	shalt  }
0x69: {  	_ =	shalt  }
0x6a: {  	_ =	shalt  }
0x6b: {  	_ =	shalt  }
0x6c: {  	_ =	shalt  }
0x6d: {  	_ =	shalt  }
0x6e: {  	_ =	shalt  }
0x6f: {  	_ =	shalt  }
0x70: {  	_ =	shalt  }
0x71: {  	_ =	shalt  }
0x72: {  	_ =	shalt  }
0x73: {  	_ =	shalt  }
0x74: {  	_ =	shalt  }
0x75: {  	_ =	shalt  }
0x76: {  	_ =	shalt  }
0x77: {  	_ =	shalt  }
0x78: {  	_ =	shalt  }
0x79: {  	_ =	shalt  }
0x7a: {  	_ =	shalt  }
0x7b: {  	_ =	shalt  }
0x7c: {  	_ =	shalt  }
0x7d: {  	_ =	shalt  }
0x7e: {  	_ =	shalt  }
0x7f: {  	_ =	shalt  }
0x80: {  	_ =	shalt  }
0x81: {  	_ =	shalt  }
0x82: {  	_ =	shalt  }
0x83: {  	_ =	shalt  }
0x84: {  	_ =	shalt  }
0x85: {  	_ =	shalt  }
0x86: {  	_ =	shalt  }
0x87: {  	_ =	shalt  }
.Lfunc_end0:
.L_simem_size_0:
called_computation.2_lowered:
.L_overlay_start_0:
0x88: {  	s2 =	sld [smem:$0x3FD9]  }
0x89: {  	s3 =	sld [smem:$0x3FFE];
	_ =	sdelay $0x1  }
0x8a: {  	s1 =	srdreg.scid  }
0x8b: {  	s0 =	sand.u32 $0x1, s1  }
0x8c: {  	s16 =	sshll.u32 s0, $0xA;
	s2 =	sadd.s32 s3, s2  }
0x8d: {  	s2 =	sadd.s32 s2, s16  }
0x8e: {  	[smem:$0x3FC1] =	sst s2  }
0x8f: {  	_ = 	snop  }
0x90: {  	(tm) =	ssettm $0x1  }
0x91: {  	s17 =	sld [smem:$0x3FFB];
	_ =	sdelay $0x3  }
0x92: {  	_ =	strace s17  }
0x93: {  	s2 =	sld [smem:$0x3FFC];
	_ =	sdelay $0x3  }
0x94: {  	_ =	strace s2  }
0x95: {  	s2 =	sld [smem:$0x3FFD];
	_ =	sdelay $0x3  }
0x96: {  	_ =	strace s2  }
0x97: {  	_ =	strace $0x8FFFFFFF  }
0x98: {  	s18 =	sld [smem:$0x3FDB];
	_ =	sdelay $0x1  }
0x99: {  	s19 =	simm.s32 $_scs_section_size  }
0x9a: {  	s4 =	simm.s32 $_size__tile_overlayer_lowered;
	s5 =	simm.s32 $_tile_overlayer_lowered  }
0x9b: {  	s22 =	simm.s32 $0x1BFF;
	s21 =	sshll.u32 s5, $0x1;
	s2 =	sadd.s32 s19, s18  }
0x9c: {  	s6 =	simm.s32 $0x0;
	s20 =	sshll.u32 s4, $0x1;
	s4 =	sadd.s32 s21, s2  }
0x9d: {  	[timem:s6], [sflag:s22] =	dma.local [hbm:s4], s20  }
0x9e: {  	_ =	swait.ge [sflag:s22], s20  }
0x9f: {  	s3 =	ssub.s32 $0x0, s20;
	[sflag:s22] =	ssyncset.done $0x0  }
0xa0: {  	[sflag:s22] =	ssyncadd.s32 s3;
	_ =	sdelay $0x1  }
0xa1: {  	s23 =	simm.s32 $0x1B8B  }
0xa2: {  	_ =	swait.ge [sflag:s23], $0x1  }
0xa3: {  	[sflag:s23] =	ssyncset.done $0x0  }
0xa4: {  	s25 =	simm.s32 $0x1B8E;
	s24 =	sld [smem:$0x3FFE];
	[sflag:s23] =	ssyncadd.s32 $0xFFFFFFFF  }
0xa5: {  	s26 =	simm.s32 $execute0_lowered;
	[smem:$0x3FD2] =	sst s25  }
0xa6: {  	s4 =	sshll.u32 s26, $0x1;
	_ =	strace $0x8000004C;
	[dreg:$0x1] =	wrdreg $0xFFFFFFFF  }
0xa7: {  	s28 =	simm.s32 $_size_execute0_lowered;
	s2 =	sadd.s32 s2, s4;
	[dreg:$0x0] =	wrdreg $0x0  }
0xa8: {  	s4 =	sshll.u32 s28, $0x1;
	[dreg:$0x2] =	wrdreg s2  }
0xa9: {  	[dreg:$0x3] =	wrdreg s4  }
0xaa: {  	[dreg:$0x4] =	wrdreg $0xC0  }
0xab: {  	_ =	task [dreg:s6], $0x5FFFF  }
0xac: {  	[dreg:$0x1] =	wrdreg $0xFFFFFFFF  }
0xad: {  	[dreg:$0x0] =	wrdreg $0x60  }
0xae: {  	[dreg:$0x2] =	wrdreg s24  }
0xaf: {  	[dreg:$0x3] =	wrdreg $0x90000  }
0xb0: {  	[dreg:$0x4] =	wrdreg $0x9  }
0xb1: {  	_ =	task.clear_ibuf [dreg:s6], $0x5FFFF;
	_ =	strace $0x9000004C  }
0xb2: {  	s29 =	simm.s32 $0x9;
	_ =	strace $0x8000004E  }
0xb3: {  	_ =	swait.ge [sflag:s29], $0x1  }
0xb4: {  	[sflag:s29] =	ssyncadd.s32 $0xFFFFFFFF  }
0xb5: {  	_ =	strace $0x9000004E  }
0xb6: {  	_ =	sfence  }
0xb7: {  	s30 =	sld [smem:$0x0];
	_ =	sdelay $0x2  }
0xb8: {  	s31 =	sshll.u32 s1, $0xD;
	s1 =	sshrl.u32 s1, $0x2  }
0xb9: {  	s3 =	sand.u32 $0x4000, s31;
	s1 =	sadd.s32 s1, s30  }
0xba: {  	s0 =	sor.u32 s3, s0;
	s1 =	sshll.u32 s1, $0x11  }
0xbb: {  	s0 =	sor.u32 s1, s0  }
0xbc: {  	s0 =	sadd.s32 $0x8F2B, s0  }
0xbd: {  	[sflag:s0] =	ssyncadd.remote.s32 $0x1  }
0xbe: {  	_ =	sfence.sel $0xFFFF  }
0xbf: {  	[dreg:$0x0] =	wrdreg $0xFFFFFFFF;
	(pc) =	sbr.abs _section_cstart, $3  }
0xc0: {  	[dreg:$0x1] =	wrdreg $0xFFFFFFFF  }
0xc1: {  	_ =	task.clear_ibuf [dreg:s6], $0x2FFFF;
	_ =	strace $0x9FFFFFFF  }
0xc2: {  	(tm) =	ssettm $0x7FFFFFFF  }
0xc3: {  	_ =	shalt  }
tec
execute0_lowered:
.L_overlay_start_1:
0x0: {  	(tag) =	ssettag $0x1  }
0x1: {  	s7 =	rddreg [dreg:$0x0]  }
0x2: {  	s0 =	srdreg.scid;
	s2 =	rddreg [dreg:$0x1]  }
0x3: {  	s3 =	simm.s32 $0x0;
	s14 =	simm.s32 $0x80;
	s15 =	simm.s32 $0x5000  }
0x4: {  	s16 =	simm.s32 $0x1;
	s6 =	sand.u32 $0x1, s0;
	s0 =	stileid.u32  }
0x5: {  	s17 =	simm.s32 $0x0;
	[smem:$0x7FF] =	sst s3;
	s8 =	smul.u32 $0x140000, s6  }
0x6: {  	s4 =	sadd.s32 $0x69000, s7;
	s1 =	sshll.u32 s6, $0x4;
	s9 =	smul.u32 $0x14000, s0  }
0x7: {  	s28 =	smul.u32 $0x50000, s0;
	s6 =	ssub.s32 $0x2, s6;
	s1 =	sor.u32 s0, s1  }
0x8: {  	s31 =	sshll.u32 s0, $0x6;
	s29 =	sshrl.u32 s6, $0x1;
	s5 =	smul.u32 $0x500, s1  }
0x9: {  	s1 =	rddreg [dreg:$0x2];
	_ =	strace $0x8000004D;
	s8 =	sadd.s32 s9, s8  }
0xa: {  	s30 =	sshrl.u32 s28, $0x2;
	s12 =	ssub.s32 s6, s29;
	s6 =	sor.u32 $0x1C02, s31  }
0xb: {  	s8 =	sshrl.u32 s8, $0x3;
	s13 =	sadd.s32 s30, s2;
	s10 =	sadd.s32 s5, s7  }
0xc: {  	s5 =	sadd.s32 $0xC800, s7;
	s11 =	sadd.s32 s8, s7;
	s7 =	sadd.s32 $0x5F000, s10  }
0xd: {  	s8 =	sadd.s32 $0x2800, s10;
	s9 =	sadd.s32 $0x91000, s11;
	s10 =	smax.u32 s12, $0x1  }
0xe: {  	s11 =	sshrl.u32 s13, $0x3;
	s12 =	simm.s32 $0x2;
	s13 =	simm.s32 $0x2800  }
.LBB2_1:
0xf: {  	[spmem:s11], [sflag:s6] =	dma.local [hbm:s5], $0x2800  }
0x10: {  	_ =	swait.ge [sflag:s12], $0x2800  }
0x11: {  	[sflag:s12] =	ssyncset.done $0x0  }
0x12: {  	[sflag:s12] =	ssyncadd.s32 $0xFFFFD800  }
0x13: {  	[tilespmem:s3], [sflag:$0x2] =	stream.linear.gather [hbm4b:s7+s3], $0x2780, $0x38;
	[tilespmem:$0x1D000] =	vst v63  }
0x14: {  	_ =	swait.ge [sflag:s12], $0x2780  }
0x15: {  	[sflag:s12] =	ssyncset.done $0x0  }
0x16: {  	[sflag:s12] =	ssyncadd.s32 $0xFFFFD880  }
0x17: {  	[tilespmem:s13], [sflag:$0x2] =	stream.linear.gather [hbm4b:s8+s3], $0x2780, $0x38;
	[tilespmem:$0x1D000] =	vst v63  }
0x18: {  	_ =	swait.ge [sflag:s12], $0x2780  }
0x19: {  	[sflag:s12] =	ssyncset.done $0x0  }
0x1a: {  	[sflag:s12] =	ssyncadd.s32 $0xFFFFD880  }
0x1b: {  	s18 =	simm.s32 $0x0;
	[bflag:$0x0] =	sbarrier.arrive $0xFFFF  }
0x1c: {  	[tilespmem:s15], [sflag:$0x1] =	stream.indirect.gather [hbm4b:s4+s14], $0x80, s18, s14, $0xb8;
	[tilespmem:$0x1D000] =	vst v63  }
0x1d: {  	_ =	swait.ge [sflag:s16], $0x4000  }
0x1e: {  	[sflag:s16] =	ssyncset.done $0x0  }
0x1f: {  	s31 =	simm.s32 $0x2800;
	[sflag:s16] =	ssyncadd.s32 $0xFFFFC000  }
0x20: {  	[spmem:s2] =	stream.indirect.scatter.add.f32 [tilespmem:s15], [sflag:$0x2], $0x80, s31, s14, $0xb8;
	[tilespmem:$0x1D000] =	vst v63  }
0x21: {  	_ =	swait.ge [sflag:s12], $0x4000  }
0x22: {  	s19 =	simm.s32 $0x400;
	s18 =	simm.s32 $0x200;
	[sflag:s12] =	ssyncset.done $0x0  }
.LBB2_2:
0x23: {  	s20 =	sshra.s32 s18, $0x2  }
0x24: {  	[sflag:s12] =	ssyncadd.s32 $0xFFFFC000;
	s18 =	smov.u32 s19;
	s21 =	sadd.s32 $0x200, s19  }
0x25: {  	[tilespmem:s15], [sflag:$0x1] =	stream.indirect.gather [hbm4b:s4+s14], $0x80, s20, s14, $0xb8;
	[tilespmem:$0x1D000] =	vst v63  }
0x26: {  	p0 =	sne.s32 s19, $0x9C00;
	_ =	swait.ge [sflag:s16], $0x4000  }
.Ltmp0:
0x27: {  	[sflag:s16] =	ssyncset.done $0x0;
	(pc) =	sbr.rel @p0 .LBB2_2-.Ltmp0, $4  }
0x28: {  	s19 =	sadd.s32 $0x2800, s20;
	[sflag:s16] =	ssyncadd.s32 $0xFFFFC000  }
0x29: {  	[spmem:s2] =	stream.indirect.scatter.add.f32 [tilespmem:s15], [sflag:$0x2], $0x80, s19, s14, $0xb8;
	[tilespmem:$0x1D000] =	vst v63  }
0x2a: {  	_ =	swait.ge [sflag:s12], $0x4000  }
0x2b: {  	s19 =	smov.u32 s21;
	[sflag:s12] =	ssyncset.done $0x0  }
0x2c: {  	s18 =	sshra.s32 s18, $0x2;
	[sflag:s12] =	ssyncadd.s32 $0xFFFFC000  }
0x2d: {  	[tilespmem:s15], [sflag:$0x1] =	stream.indirect.gather [hbm4b:s4+s14], $0x80, s18, s14, $0xb8;
	[tilespmem:$0x1D000] =	vst v63  }
0x2e: {  	_ =	swait.ge [sflag:s16], $0x4000  }
0x2f: {  	[sflag:s16] =	ssyncset.done $0x0  }
0x30: {  	s18 =	sadd.s32 $0x2800, s18;
	[sflag:s16] =	ssyncadd.s32 $0xFFFFC000  }
0x31: {  	[spmem:s2] =	stream.indirect.scatter.add.f32 [tilespmem:s15], [sflag:$0x2], $0x80, s18, s14, $0xb8;
	[tilespmem:$0x1D000] =	vst v63  }
0x32: {  	_ =	swait.ge [sflag:s12], $0x4000  }
0x33: {  	s17 =	sadd.s32 $0x1, s17;
	[sflag:s12] =	ssyncset.done $0x0  }
0x34: {  	p0 =	sne.s32 s17, s10;
	[sflag:s12] =	ssyncadd.s32 $0xFFFFC000  }
.Ltmp1:
0x35: {  	[bflag:$0x0] =	sbarrier.arrive $0xFFFF;
	(pc) =	sbr.rel @p0 .LBB2_1-.Ltmp1, $4  }
0x36: {  	[hbm:s9], [sflag:s6] =	dma.local [spmem:s11], $0x2800  }
0x37: {  	_ =	swait.ge [sflag:s12], $0x2800  }
0x38: {  	[sflag:s12] =	ssyncset.done $0x0  }
0x39: {  	[sflag:s12] =	ssyncadd.s32 $0xFFFFD800  }
0x3a: {  	_ =	sfence.sel $0x180000  }
0x3b: {  	[bflag:$0x0] =	sbarrier.arrive $0xFFFF  }
0x3c: {  	p0 =	sne.s32 s0, $0x0;
	_ =	strace $0x9000004D  }
0x3d: {  	s0 =	sadd.s32 @!p0 $0x100000, s1;
	[bflag:$0x2] =	sbarrier.arrive $0xFFFF  }
0x3e: {  	[sflag:s0] =	ssyncadd.tile.s32 @!p0 $0x1;
	_ =	shalt  }
.Lfunc_end2:
_tile_overlayer_lowered:
.L_overlay_start_2:
0x3f: {  	(tag) =	ssettag $0x2  }
0x40: {  	s0 =	rddreg [dreg:$0x0];
	s2 =	stileid.u32  }
0x41: {  	s1 =	rddreg [dreg:$0x1];
	p0 =	sne.s32 s2, $0x0  }
0x42: {  	s3 =	rddreg [dreg:$0x2];
	[bflag:$0x3] =	sbarrier.arrive $0xFFFF;
	s2 =	simm.s32 @!p0 $0x1C02  }
0x43: {  	[timem:s3], [sflag:s2] =	dma.local @!p0 [hbm:s0], s1  }
0x44: {  	s0 =	simm.s32 @!p0 $0x2  }
0x45: {  	_ =	swait.ge @!p0 [sflag:s0], s1  }
0x46: {  	s1 =	ssub.s32 @!p0 $0x0, s1;
	[sflag:s0] =	ssyncset.done @!p0 $0x0  }
0x47: {  	[sflag:s0] =	ssyncadd.s32 @!p0 s1  }
0x48: {  	[bflag:$0x3] =	sbarrier.arrive $0xFFFF  }
0x49: {  	_ =	shalt  }

// kernel: kernel.14.cloned.1.call-start
scs
__scs_entry_jumppad:
0x0: {  	(pc) =	sbr.rel $0x88, $3  }
0x1: {  	(tag) =	ssettag $0x0;
	lr =	simm.s32 $0x1  }
0x2: {  	[smem:$0x3F9A] =	sst lr;
	_ =	strace $0xD0000000  }
0x3: {  	_ = 	snop  }
0x4: {  	_ = 	snop  }
0x5: {  	_ = 	snop  }
0x6: {  	_ = 	snop  }
0x7: {  	_ = 	snop  }
__scs_overlays_trampoline_lowered:
0x8: {  	[smem:$0x3FA9] =	sst s0  }
0x9: {  	[smem:$0x3FAA] =	sst s1  }
0xa: {  	[smem:$0x3FAB] =	sst s2  }
0xb: {  	[smem:$0x3FAC] =	sst s3  }
0xc: {  	[smem:$0x3FAD] =	sst s4  }
0xd: {  	[smem:$0x3FAE] =	sst s5  }
0xe: {  	[smem:$0x3FAF] =	sst s6  }
0xf: {  	[smem:$0x3FB0] =	sst s7  }
0x10: {  	[smem:$0x3FB1] =	sst s8  }
0x11: {  	[smem:$0x3FB2] =	sst s9;
	s0 =	simm.s32 @!p0 $0x0  }
0x12: {  	s1 =	sld [smem:$0x3F98];
	s0 =	simm.s32 @p0 $0x1  }
0x13: {  	[smem:$0x3FB3] =	sst s0;
	s0 =	simm.s32 @!p1 $0x0  }
0x14: {  	s2 =	sld [smem:$0x3F97];
	s0 =	simm.s32 @p1 $0x1  }
0x15: {  	[smem:$0x3FB4] =	sst s0;
	s0 =	simm.s32 @!p2 $0x0  }
0x16: {  	s3 =	sld [smem:$0x3FDB];
	s0 =	simm.s32 @p2 $0x1  }
0x17: {  	s4 =	simm.s32 $0x1BF5;
	[smem:$0x3FB6] =	sst s0  }
0x18: {  	s0 =	sld [smem:$0x3F99];
	_ =	swait.ge [sflag:s4], $0x0  }
0x19: {  	s7 =	sld [smem:$0x3F9A]  }
0x1a: {  	s8 =	sadd.s32 $0xFFFFE003, lr  }
0x1b: {  	s9 =	sadd.s32 $0xFFFFFEF7, lr;
	s5 =	simm.s32 $0xFFFFFFFF;
	p2 =	slt.u32 s8, $0xFFFFF086  }
0x1c: {  	p1 =	slt.u32 s9, $0xF7A;
	s5 =	simm.s32 @!p2 $0x0  }
0x1d: {  	s5 =	simm.s32 @p1 $0x1;
	p0 =	seq.s32 s7, s2  }
0x1e: {  	s7 =	smul.u32 @!p0 $0xF7A, s2;
	p2 =	seq.s32 @!p0 s5, $0x0  }
0x1f: {  	s9 =	smul.u32 $0xF7A, s1;
	s8 =	simm.s32 @!p0 $0x1BF5;
	p2 =	por !p2, p0  }
0x20: {  	[sflag:s8] =	ssyncset.s32 @!p0 $0xFFFFF086;
	s6 =	sadd.s32 @!p0 s3, s7;
	s7 =	simm.s32 @!p0 $0x108  }
0x21: {  	s3 =	sadd.s32 s3, s9;
	s6 =	sadd.s32 @!p0 $0x88, s6;
	s7 =	simm.s32 @p2 $0x1082  }
0x22: {  	[simem:s7], [sflag:s8] =	dma.local @!p0 [hbm:s6], $0xF7A  }
0x23: {  	s9 =	sor.u32 $0xD0000000, s2;
	s6 =	simm.s32 $0x108;
	_ =	swait.ge @!p0 [sflag:s8], $0x0  }
0x24: {  	s3 =	sadd.s32 $0x88, s3;
	s6 =	simm.s32 @!p1 $0x1082;
	[sflag:s4] =	ssyncset.s32 $0xFFFFF086  }
0x25: {  	[simem:s6], [sflag:s4] =	dma.local [hbm:s3], $0xF7A  }
0x26: {  	[smem:$0x3F9A] =	sst s1;
	(tag) =	ssettag s2;
	_ =	strace s9  }
0x27: {  	s1 =	sld [smem:$0x3FAA]  }
0x28: {  	s2 =	sld [smem:$0x3FAB]  }
0x29: {  	s4 =	sld [smem:$0x3FAD]  }
0x2a: {  	p0 =	seq.s32 s5, $0x0;
	s5 =	sld [smem:$0x3FAE]  }
0x2b: {  	s6 =	sld [smem:$0x3FAF]  }
0x2c: {  	s7 =	sld [smem:$0x3FB0]  }
0x2d: {  	s3 =	simm.s32 $0x108;
	s8 =	sld [smem:$0x3FB1]  }
0x2e: {  	s3 =	simm.s32 @!p0 $0x1082;
	s9 =	sld [smem:$0x3FB2]  }
0x2f: {  	lr =	sadd.s32 s0, s3;
	s0 =	sld [smem:$0x3FA9]  }
0x30: {  	s3 =	sld [smem:$0x3FAC]  }
0x31: {  	[smem:$0x3FB5] =	sst s10  }
0x32: {  	s10 =	sld [smem:$0x3FB3];
	_ =	sdelay $0x3  }
0x33: {  	p0 =	seq.s32 s10, $0x1;
	s10 =	sld [smem:$0x3FB5];
	_ =	sdelay $0x3  }
0x34: {  	[smem:$0x3FB5] =	sst s10  }
0x35: {  	s10 =	sld [smem:$0x3FB4];
	_ =	sdelay $0x3  }
0x36: {  	p1 =	seq.s32 s10, $0x1;
	s10 =	sld [smem:$0x3FB5];
	_ =	sdelay $0x3  }
0x37: {  	[smem:$0x3FB5] =	sst s10  }
0x38: {  	s10 =	sld [smem:$0x3FB6]  }
0x39: {  	_ = 	snop;
	(pc) =	sbr.ind lr, $3  }
0x3a: {  	_ = 	snop  }
0x3b: {  	_ = 	snop  }
0x3c: {  	p2 =	seq.s32 s10, $0x1;
	s10 =	sld [smem:$0x3FB5]  }
0x3d: {  	_ =	shalt  }
0x3e: {  	_ =	shalt  }
0x3f: {  	_ =	shalt  }
0x40: {  	_ =	shalt  }
0x41: {  	_ =	shalt  }
0x42: {  	_ =	shalt  }
0x43: {  	_ =	shalt  }
0x44: {  	_ =	shalt  }
0x45: {  	_ =	shalt  }
0x46: {  	_ =	shalt  }
0x47: {  	_ =	shalt  }
0x48: {  	_ =	shalt  }
0x49: {  	_ =	shalt  }
0x4a: {  	_ =	shalt  }
0x4b: {  	_ =	shalt  }
0x4c: {  	_ =	shalt  }
0x4d: {  	_ =	shalt  }
0x4e: {  	_ =	shalt  }
0x4f: {  	_ =	shalt  }
0x50: {  	_ =	shalt  }
0x51: {  	_ =	shalt  }
0x52: {  	_ =	shalt  }
0x53: {  	_ =	shalt  }
0x54: {  	_ =	shalt  }
0x55: {  	_ =	shalt  }
0x56: {  	_ =	shalt  }
0x57: {  	_ =	shalt  }
0x58: {  	_ =	shalt  }
0x59: {  	_ =	shalt  }
0x5a: {  	_ =	shalt  }
0x5b: {  	_ =	shalt  }
0x5c: {  	_ =	shalt  }
0x5d: {  	_ =	shalt  }
0x5e: {  	_ =	shalt  }
0x5f: {  	_ =	shalt  }
0x60: {  	_ =	shalt  }
0x61: {  	_ =	shalt  }
0x62: {  	_ =	shalt  }
0x63: {  	_ =	shalt  }
0x64: {  	_ =	shalt  }
0x65: {  	_ =	shalt  }
0x66: {  	_ =	shalt  }
0x67: {  	_ =	shalt  }
0x68: {  	_ =	shalt  }
0x69: {  	_ =	shalt  }
0x6a: {  	_ =	shalt  }
0x6b: {  	_ =	shalt  }
0x6c: {  	_ =	shalt  }
0x6d: {  	_ =	shalt  }
0x6e: {  	_ =	shalt  }
0x6f: {  	_ =	shalt  }
0x70: {  	_ =	shalt  }
0x71: {  	_ =	shalt  }
0x72: {  	_ =	shalt  }
0x73: {  	_ =	shalt  }
0x74: {  	_ =	shalt  }
0x75: {  	_ =	shalt  }
0x76: {  	_ =	shalt  }
0x77: {  	_ =	shalt  }
0x78: {  	_ =	shalt  }
0x79: {  	_ =	shalt  }
0x7a: {  	_ =	shalt  }
0x7b: {  	_ =	shalt  }
0x7c: {  	_ =	shalt  }
0x7d: {  	_ =	shalt  }
0x7e: {  	_ =	shalt  }
0x7f: {  	_ =	shalt  }
0x80: {  	_ =	shalt  }
0x81: {  	_ =	shalt  }
0x82: {  	_ =	shalt  }
0x83: {  	_ =	shalt  }
0x84: {  	_ =	shalt  }
0x85: {  	_ =	shalt  }
0x86: {  	_ =	shalt  }
0x87: {  	_ =	shalt  }
.Lfunc_end0:
.L_simem_size_0:
called_computation.3_lowered:
.L_overlay_start_0:
0x88: {  	s2 =	sld [smem:$0x3FD9]  }
0x89: {  	s3 =	sld [smem:$0x3FFE];
	_ =	sdelay $0x1  }
0x8a: {  	s1 =	srdreg.scid  }
0x8b: {  	s0 =	sand.u32 $0x1, s1  }
0x8c: {  	s16 =	sshll.u32 s0, $0xA;
	s2 =	sadd.s32 s3, s2  }
0x8d: {  	s2 =	sadd.s32 s2, s16  }
0x8e: {  	[smem:$0x3FC1] =	sst s2  }
0x8f: {  	_ = 	snop  }
0x90: {  	(tm) =	ssettm $0x1  }
0x91: {  	s17 =	sld [smem:$0x3FFB];
	_ =	sdelay $0x3  }
0x92: {  	_ =	strace s17  }
0x93: {  	s2 =	sld [smem:$0x3FFC];
	_ =	sdelay $0x3  }
0x94: {  	_ =	strace s2  }
0x95: {  	s2 =	sld [smem:$0x3FFD];
	_ =	sdelay $0x3  }
0x96: {  	_ =	strace s2  }
0x97: {  	_ =	strace $0x8FFFFFFF  }
0x98: {  	s18 =	sld [smem:$0x3FDB];
	_ =	sdelay $0x1  }
0x99: {  	s19 =	simm.s32 $_scs_section_size  }
0x9a: {  	s4 =	simm.s32 $_size__tile_overlayer_lowered;
	s5 =	simm.s32 $_tile_overlayer_lowered  }
0x9b: {  	s22 =	simm.s32 $0x1BFF;
	s21 =	sshll.u32 s5, $0x1;
	s2 =	sadd.s32 s19, s18  }
0x9c: {  	s6 =	simm.s32 $0x0;
	s20 =	sshll.u32 s4, $0x1;
	s4 =	sadd.s32 s21, s2  }
0x9d: {  	[timem:s6], [sflag:s22] =	dma.local [hbm:s4], s20  }
0x9e: {  	_ =	swait.ge [sflag:s22], s20  }
0x9f: {  	s3 =	ssub.s32 $0x0, s20;
	[sflag:s22] =	ssyncset.done $0x0  }
0xa0: {  	[sflag:s22] =	ssyncadd.s32 s3;
	_ =	sdelay $0x1  }
0xa1: {  	s23 =	simm.s32 $0x1B8B  }
0xa2: {  	_ =	swait.ge [sflag:s23], $0x1  }
0xa3: {  	[sflag:s23] =	ssyncset.done $0x0  }
0xa4: {  	s25 =	simm.s32 $0x1B8E;
	s24 =	sld [smem:$0x3FFE];
	[sflag:s23] =	ssyncadd.s32 $0xFFFFFFFF  }
0xa5: {  	s26 =	simm.s32 $execute0_lowered;
	[smem:$0x3FD2] =	sst s25  }
0xa6: {  	s4 =	sshll.u32 s26, $0x1;
	_ =	strace $0x8000004F;
	[dreg:$0x1] =	wrdreg $0xFFFFFFFF  }
0xa7: {  	s28 =	simm.s32 $_size_execute0_lowered;
	s2 =	sadd.s32 s2, s4;
	[dreg:$0x0] =	wrdreg $0x0  }
0xa8: {  	s4 =	sshll.u32 s28, $0x1;
	[dreg:$0x2] =	wrdreg s2  }
0xa9: {  	[dreg:$0x3] =	wrdreg s4  }
0xaa: {  	[dreg:$0x4] =	wrdreg $0xC0  }
0xab: {  	_ =	task [dreg:s6], $0x5FFFF  }
0xac: {  	[dreg:$0x1] =	wrdreg $0xFFFFFFFF  }
0xad: {  	[dreg:$0x0] =	wrdreg $0x60  }
0xae: {  	[dreg:$0x2] =	wrdreg s24  }
0xaf: {  	[dreg:$0x3] =	wrdreg $0x90000  }
0xb0: {  	[dreg:$0x4] =	wrdreg $0x9  }
0xb1: {  	_ =	task.clear_ibuf [dreg:s6], $0x5FFFF;
	_ =	strace $0x9000004F  }
0xb2: {  	s29 =	simm.s32 $0x9;
	_ =	strace $0x80000051  }
0xb3: {  	_ =	swait.ge [sflag:s29], $0x1  }
0xb4: {  	[sflag:s29] =	ssyncadd.s32 $0xFFFFFFFF  }
0xb5: {  	_ =	strace $0x90000051  }
0xb6: {  	_ =	sfence  }
0xb7: {  	s30 =	sld [smem:$0x0];
	_ =	sdelay $0x2  }
0xb8: {  	s31 =	sshll.u32 s1, $0xD;
	s1 =	sshrl.u32 s1, $0x2  }
0xb9: {  	s3 =	sand.u32 $0x4000, s31;
	s1 =	sadd.s32 s1, s30  }
0xba: {  	s0 =	sor.u32 s3, s0;
	s1 =	sshll.u32 s1, $0x11  }
0xbb: {  	s0 =	sor.u32 s1, s0  }
0xbc: {  	s0 =	sadd.s32 $0x8F2B, s0  }
0xbd: {  	[sflag:s0] =	ssyncadd.remote.s32 $0x1  }
0xbe: {  	_ =	sfence.sel $0xFFFF  }
0xbf: {  	[dreg:$0x0] =	wrdreg $0xFFFFFFFF;
	(pc) =	sbr.abs _section_cstart, $3  }
0xc0: {  	[dreg:$0x1] =	wrdreg $0xFFFFFFFF  }
0xc1: {  	_ =	task.clear_ibuf [dreg:s6], $0x2FFFF;
	_ =	strace $0x9FFFFFFF  }
0xc2: {  	(tm) =	ssettm $0x7FFFFFFF  }
0xc3: {  	_ =	shalt  }
tec
execute0_lowered:
.L_overlay_start_1:
0x0: {  	(tag) =	ssettag $0x1  }
0x1: {  	s7 =	rddreg [dreg:$0x0]  }
0x2: {  	s0 =	srdreg.scid;
	s2 =	rddreg [dreg:$0x1]  }
0x3: {  	s3 =	simm.s32 $0x0;
	s14 =	simm.s32 $0x80;
	s15 =	simm.s32 $0x5000  }
0x4: {  	s16 =	simm.s32 $0x1;
	s6 =	sand.u32 $0x1, s0;
	s0 =	stileid.u32  }
0x5: {  	s17 =	simm.s32 $0x0;
	[smem:$0x7FF] =	sst s3;
	s8 =	smul.u32 $0x140000, s6  }
0x6: {  	s4 =	sadd.s32 $0x69000, s7;
	s1 =	sshll.u32 s6, $0x4;
	s9 =	smul.u32 $0x14000, s0  }
0x7: {  	s28 =	smul.u32 $0x50000, s0;
	s6 =	ssub.s32 $0x2, s6;
	s1 =	sor.u32 s0, s1  }
0x8: {  	s31 =	sshll.u32 s0, $0x6;
	s29 =	sshrl.u32 s6, $0x1;
	s5 =	smul.u32 $0x500, s1  }
0x9: {  	s1 =	rddreg [dreg:$0x2];
	_ =	strace $0x80000050;
	s8 =	sadd.s32 s9, s8  }
0xa: {  	s30 =	sshrl.u32 s28, $0x2;
	s12 =	ssub.s32 s6, s29;
	s6 =	sor.u32 $0x1C02, s31  }
0xb: {  	s8 =	sshrl.u32 s8, $0x3;
	s13 =	sadd.s32 s30, s2;
	s10 =	sadd.s32 s5, s7  }
0xc: {  	s5 =	sadd.s32 $0xC800, s7;
	s11 =	sadd.s32 s8, s7;
	s7 =	sadd.s32 $0x5F000, s10  }
0xd: {  	s8 =	sadd.s32 $0x2800, s10;
	s9 =	sadd.s32 $0x91000, s11;
	s10 =	smax.u32 s12, $0x1  }
0xe: {  	s11 =	sshrl.u32 s13, $0x3;
	s12 =	simm.s32 $0x2;
	s13 =	simm.s32 $0x2800  }
.LBB2_1:
0xf: {  	[spmem:s11], [sflag:s6] =	dma.local [hbm:s5], $0x2800  }
0x10: {  	_ =	swait.ge [sflag:s12], $0x2800  }
0x11: {  	[sflag:s12] =	ssyncset.done $0x0  }
0x12: {  	[sflag:s12] =	ssyncadd.s32 $0xFFFFD800  }
0x13: {  	[tilespmem:s3], [sflag:$0x2] =	stream.linear.gather [hbm4b:s7+s3], $0x2780, $0x38;
	[tilespmem:$0x1D000] =	vst v63  }
0x14: {  	_ =	swait.ge [sflag:s12], $0x2780  }
0x15: {  	[sflag:s12] =	ssyncset.done $0x0  }
0x16: {  	[sflag:s12] =	ssyncadd.s32 $0xFFFFD880  }
0x17: {  	[tilespmem:s13], [sflag:$0x2] =	stream.linear.gather [hbm4b:s8+s3], $0x2780, $0x38;
	[tilespmem:$0x1D000] =	vst v63  }
0x18: {  	_ =	swait.ge [sflag:s12], $0x2780  }
0x19: {  	[sflag:s12] =	ssyncset.done $0x0  }
0x1a: {  	[sflag:s12] =	ssyncadd.s32 $0xFFFFD880  }
0x1b: {  	s18 =	simm.s32 $0x0;
	[bflag:$0x0] =	sbarrier.arrive $0xFFFF  }
0x1c: {  	[tilespmem:s15], [sflag:$0x1] =	stream.indirect.gather [hbm4b:s4+s14], $0x80, s18, s14, $0xb8;
	[tilespmem:$0x1D000] =	vst v63  }
0x1d: {  	_ =	swait.ge [sflag:s16], $0x4000  }
0x1e: {  	[sflag:s16] =	ssyncset.done $0x0  }
0x1f: {  	s31 =	simm.s32 $0x2800;
	[sflag:s16] =	ssyncadd.s32 $0xFFFFC000  }
0x20: {  	[spmem:s2] =	stream.indirect.scatter.add.f32 [tilespmem:s15], [sflag:$0x2], $0x80, s31, s14, $0xb8;
	[tilespmem:$0x1D000] =	vst v63  }
0x21: {  	_ =	swait.ge [sflag:s12], $0x4000  }
0x22: {  	s19 =	simm.s32 $0x400;
	s18 =	simm.s32 $0x200;
	[sflag:s12] =	ssyncset.done $0x0  }
.LBB2_2:
0x23: {  	s20 =	sshra.s32 s18, $0x2  }
0x24: {  	[sflag:s12] =	ssyncadd.s32 $0xFFFFC000;
	s18 =	smov.u32 s19;
	s21 =	sadd.s32 $0x200, s19  }
0x25: {  	[tilespmem:s15], [sflag:$0x1] =	stream.indirect.gather [hbm4b:s4+s14], $0x80, s20, s14, $0xb8;
	[tilespmem:$0x1D000] =	vst v63  }
0x26: {  	p0 =	sne.s32 s19, $0x9C00;
	_ =	swait.ge [sflag:s16], $0x4000  }
.Ltmp0:
0x27: {  	[sflag:s16] =	ssyncset.done $0x0;
	(pc) =	sbr.rel @p0 .LBB2_2-.Ltmp0, $4  }
0x28: {  	s19 =	sadd.s32 $0x2800, s20;
	[sflag:s16] =	ssyncadd.s32 $0xFFFFC000  }
0x29: {  	[spmem:s2] =	stream.indirect.scatter.add.f32 [tilespmem:s15], [sflag:$0x2], $0x80, s19, s14, $0xb8;
	[tilespmem:$0x1D000] =	vst v63  }
0x2a: {  	_ =	swait.ge [sflag:s12], $0x4000  }
0x2b: {  	s19 =	smov.u32 s21;
	[sflag:s12] =	ssyncset.done $0x0  }
0x2c: {  	s18 =	sshra.s32 s18, $0x2;
	[sflag:s12] =	ssyncadd.s32 $0xFFFFC000  }
0x2d: {  	[tilespmem:s15], [sflag:$0x1] =	stream.indirect.gather [hbm4b:s4+s14], $0x80, s18, s14, $0xb8;
	[tilespmem:$0x1D000] =	vst v63  }
0x2e: {  	_ =	swait.ge [sflag:s16], $0x4000  }
0x2f: {  	[sflag:s16] =	ssyncset.done $0x0  }
0x30: {  	s18 =	sadd.s32 $0x2800, s18;
	[sflag:s16] =	ssyncadd.s32 $0xFFFFC000  }
0x31: {  	[spmem:s2] =	stream.indirect.scatter.add.f32 [tilespmem:s15], [sflag:$0x2], $0x80, s18, s14, $0xb8;
	[tilespmem:$0x1D000] =	vst v63  }
0x32: {  	_ =	swait.ge [sflag:s12], $0x4000  }
0x33: {  	s17 =	sadd.s32 $0x1, s17;
	[sflag:s12] =	ssyncset.done $0x0  }
0x34: {  	p0 =	sne.s32 s17, s10;
	[sflag:s12] =	ssyncadd.s32 $0xFFFFC000  }
.Ltmp1:
0x35: {  	[bflag:$0x0] =	sbarrier.arrive $0xFFFF;
	(pc) =	sbr.rel @p0 .LBB2_1-.Ltmp1, $4  }
0x36: {  	[hbm:s9], [sflag:s6] =	dma.local [spmem:s11], $0x2800  }
0x37: {  	_ =	swait.ge [sflag:s12], $0x2800  }
0x38: {  	[sflag:s12] =	ssyncset.done $0x0  }
0x39: {  	[sflag:s12] =	ssyncadd.s32 $0xFFFFD800  }
0x3a: {  	_ =	sfence.sel $0x180000  }
0x3b: {  	[bflag:$0x0] =	sbarrier.arrive $0xFFFF  }
0x3c: {  	p0 =	sne.s32 s0, $0x0;
	_ =	strace $0x90000050  }
0x3d: {  	s0 =	sadd.s32 @!p0 $0x100000, s1;
	[bflag:$0x2] =	sbarrier.arrive $0xFFFF  }
0x3e: {  	[sflag:s0] =	ssyncadd.tile.s32 @!p0 $0x1;
	_ =	shalt  }
.Lfunc_end2:
_tile_overlayer_lowered:
.L_overlay_start_2:
0x3f: {  	(tag) =	ssettag $0x2  }
0x40: {  	s0 =	rddreg [dreg:$0x0];
	s2 =	stileid.u32  }
0x41: {  	s1 =	rddreg [dreg:$0x1];
	p0 =	sne.s32 s2, $0x0  }
0x42: {  	s3 =	rddreg [dreg:$0x2];
	[bflag:$0x3] =	sbarrier.arrive $0xFFFF;
	s2 =	simm.s32 @!p0 $0x1C02  }
0x43: {  	[timem:s3], [sflag:s2] =	dma.local @!p0 [hbm:s0], s1  }
0x44: {  	s0 =	simm.s32 @!p0 $0x2  }
0x45: {  	_ =	swait.ge @!p0 [sflag:s0], s1  }
0x46: {  	s1 =	ssub.s32 @!p0 $0x0, s1;
	[sflag:s0] =	ssyncset.done @!p0 $0x0  }
0x47: {  	[sflag:s0] =	ssyncadd.s32 @!p0 s1  }
0x48: {  	[bflag:$0x3] =	sbarrier.arrive $0xFFFF  }
0x49: {  	_ =	shalt  }

// kernel: kernel.8.cloned.1.call-start
scs
__scs_entry_jumppad:
0x0: {  	(pc) =	sbr.rel $0x88, $3  }
0x1: {  	(tag) =	ssettag $0x0;
	lr =	simm.s32 $0x1  }
0x2: {  	[smem:$0x3F9A] =	sst lr;
	_ =	strace $0xD0000000  }
0x3: {  	_ = 	snop  }
0x4: {  	_ = 	snop  }
0x5: {  	_ = 	snop  }
0x6: {  	_ = 	snop  }
0x7: {  	_ = 	snop  }
__scs_overlays_trampoline_lowered:
0x8: {  	[smem:$0x3FA9] =	sst s0  }
0x9: {  	[smem:$0x3FAA] =	sst s1  }
0xa: {  	[smem:$0x3FAB] =	sst s2  }
0xb: {  	[smem:$0x3FAC] =	sst s3  }
0xc: {  	[smem:$0x3FAD] =	sst s4  }
0xd: {  	[smem:$0x3FAE] =	sst s5  }
0xe: {  	[smem:$0x3FAF] =	sst s6  }
0xf: {  	[smem:$0x3FB0] =	sst s7  }
0x10: {  	[smem:$0x3FB1] =	sst s8  }
0x11: {  	[smem:$0x3FB2] =	sst s9;
	s0 =	simm.s32 @!p0 $0x0  }
0x12: {  	s1 =	sld [smem:$0x3F98];
	s0 =	simm.s32 @p0 $0x1  }
0x13: {  	[smem:$0x3FB3] =	sst s0;
	s0 =	simm.s32 @!p1 $0x0  }
0x14: {  	s2 =	sld [smem:$0x3F97];
	s0 =	simm.s32 @p1 $0x1  }
0x15: {  	[smem:$0x3FB4] =	sst s0;
	s0 =	simm.s32 @!p2 $0x0  }
0x16: {  	s3 =	sld [smem:$0x3FDB];
	s0 =	simm.s32 @p2 $0x1  }
0x17: {  	s4 =	simm.s32 $0x1BF5;
	[smem:$0x3FB6] =	sst s0  }
0x18: {  	s0 =	sld [smem:$0x3F99];
	_ =	swait.ge [sflag:s4], $0x0  }
0x19: {  	s7 =	sld [smem:$0x3F9A]  }
0x1a: {  	s8 =	sadd.s32 $0xFFFFE003, lr  }
0x1b: {  	s9 =	sadd.s32 $0xFFFFFEF7, lr;
	s5 =	simm.s32 $0xFFFFFFFF;
	p2 =	slt.u32 s8, $0xFFFFF086  }
0x1c: {  	p1 =	slt.u32 s9, $0xF7A;
	s5 =	simm.s32 @!p2 $0x0  }
0x1d: {  	s5 =	simm.s32 @p1 $0x1;
	p0 =	seq.s32 s7, s2  }
0x1e: {  	s7 =	smul.u32 @!p0 $0xF7A, s2;
	p2 =	seq.s32 @!p0 s5, $0x0  }
0x1f: {  	s9 =	smul.u32 $0xF7A, s1;
	s8 =	simm.s32 @!p0 $0x1BF5;
	p2 =	por !p2, p0  }
0x20: {  	[sflag:s8] =	ssyncset.s32 @!p0 $0xFFFFF086;
	s6 =	sadd.s32 @!p0 s3, s7;
	s7 =	simm.s32 @!p0 $0x108  }
0x21: {  	s3 =	sadd.s32 s3, s9;
	s6 =	sadd.s32 @!p0 $0x88, s6;
	s7 =	simm.s32 @p2 $0x1082  }
0x22: {  	[simem:s7], [sflag:s8] =	dma.local @!p0 [hbm:s6], $0xF7A  }
0x23: {  	s9 =	sor.u32 $0xD0000000, s2;
	s6 =	simm.s32 $0x108;
	_ =	swait.ge @!p0 [sflag:s8], $0x0  }
0x24: {  	s3 =	sadd.s32 $0x88, s3;
	s6 =	simm.s32 @!p1 $0x1082;
	[sflag:s4] =	ssyncset.s32 $0xFFFFF086  }
0x25: {  	[simem:s6], [sflag:s4] =	dma.local [hbm:s3], $0xF7A  }
0x26: {  	[smem:$0x3F9A] =	sst s1;
	(tag) =	ssettag s2;
	_ =	strace s9  }
0x27: {  	s1 =	sld [smem:$0x3FAA]  }
0x28: {  	s2 =	sld [smem:$0x3FAB]  }
0x29: {  	s4 =	sld [smem:$0x3FAD]  }
0x2a: {  	p0 =	seq.s32 s5, $0x0;
	s5 =	sld [smem:$0x3FAE]  }
0x2b: {  	s6 =	sld [smem:$0x3FAF]  }
0x2c: {  	s7 =	sld [smem:$0x3FB0]  }
0x2d: {  	s3 =	simm.s32 $0x108;
	s8 =	sld [smem:$0x3FB1]  }
0x2e: {  	s3 =	simm.s32 @!p0 $0x1082;
	s9 =	sld [smem:$0x3FB2]  }
0x2f: {  	lr =	sadd.s32 s0, s3;
	s0 =	sld [smem:$0x3FA9]  }
0x30: {  	s3 =	sld [smem:$0x3FAC]  }
0x31: {  	[smem:$0x3FB5] =	sst s10  }
0x32: {  	s10 =	sld [smem:$0x3FB3];
	_ =	sdelay $0x3  }
0x33: {  	p0 =	seq.s32 s10, $0x1;
	s10 =	sld [smem:$0x3FB5];
	_ =	sdelay $0x3  }
0x34: {  	[smem:$0x3FB5] =	sst s10  }
0x35: {  	s10 =	sld [smem:$0x3FB4];
	_ =	sdelay $0x3  }
0x36: {  	p1 =	seq.s32 s10, $0x1;
	s10 =	sld [smem:$0x3FB5];
	_ =	sdelay $0x3  }
0x37: {  	[smem:$0x3FB5] =	sst s10  }
0x38: {  	s10 =	sld [smem:$0x3FB6]  }
0x39: {  	_ = 	snop;
	(pc) =	sbr.ind lr, $3  }
0x3a: {  	_ = 	snop  }
0x3b: {  	_ = 	snop  }
0x3c: {  	p2 =	seq.s32 s10, $0x1;
	s10 =	sld [smem:$0x3FB5]  }
0x3d: {  	_ =	shalt  }
0x3e: {  	_ =	shalt  }
0x3f: {  	_ =	shalt  }
0x40: {  	_ =	shalt  }
0x41: {  	_ =	shalt  }
0x42: {  	_ =	shalt  }
0x43: {  	_ =	shalt  }
0x44: {  	_ =	shalt  }
0x45: {  	_ =	shalt  }
0x46: {  	_ =	shalt  }
0x47: {  	_ =	shalt  }
0x48: {  	_ =	shalt  }
0x49: {  	_ =	shalt  }
0x4a: {  	_ =	shalt  }
0x4b: {  	_ =	shalt  }
0x4c: {  	_ =	shalt  }
0x4d: {  	_ =	shalt  }
0x4e: {  	_ =	shalt  }
0x4f: {  	_ =	shalt  }
0x50: {  	_ =	shalt  }
0x51: {  	_ =	shalt  }
0x52: {  	_ =	shalt  }
0x53: {  	_ =	shalt  }
0x54: {  	_ =	shalt  }
0x55: {  	_ =	shalt  }
0x56: {  	_ =	shalt  }
0x57: {  	_ =	shalt  }
0x58: {  	_ =	shalt  }
0x59: {  	_ =	shalt  }
0x5a: {  	_ =	shalt  }
0x5b: {  	_ =	shalt  }
0x5c: {  	_ =	shalt  }
0x5d: {  	_ =	shalt  }
0x5e: {  	_ =	shalt  }
0x5f: {  	_ =	shalt  }
0x60: {  	_ =	shalt  }
0x61: {  	_ =	shalt  }
0x62: {  	_ =	shalt  }
0x63: {  	_ =	shalt  }
0x64: {  	_ =	shalt  }
0x65: {  	_ =	shalt  }
0x66: {  	_ =	shalt  }
0x67: {  	_ =	shalt  }
0x68: {  	_ =	shalt  }
0x69: {  	_ =	shalt  }
0x6a: {  	_ =	shalt  }
0x6b: {  	_ =	shalt  }
0x6c: {  	_ =	shalt  }
0x6d: {  	_ =	shalt  }
0x6e: {  	_ =	shalt  }
0x6f: {  	_ =	shalt  }
0x70: {  	_ =	shalt  }
0x71: {  	_ =	shalt  }
0x72: {  	_ =	shalt  }
0x73: {  	_ =	shalt  }
0x74: {  	_ =	shalt  }
0x75: {  	_ =	shalt  }
0x76: {  	_ =	shalt  }
0x77: {  	_ =	shalt  }
0x78: {  	_ =	shalt  }
0x79: {  	_ =	shalt  }
0x7a: {  	_ =	shalt  }
0x7b: {  	_ =	shalt  }
0x7c: {  	_ =	shalt  }
0x7d: {  	_ =	shalt  }
0x7e: {  	_ =	shalt  }
0x7f: {  	_ =	shalt  }
0x80: {  	_ =	shalt  }
0x81: {  	_ =	shalt  }
0x82: {  	_ =	shalt  }
0x83: {  	_ =	shalt  }
0x84: {  	_ =	shalt  }
0x85: {  	_ =	shalt  }
0x86: {  	_ =	shalt  }
0x87: {  	_ =	shalt  }
.Lfunc_end0:
.L_simem_size_0:
called_computation.1_lowered:
.L_overlay_start_0:
0x88: {  	s2 =	sld [smem:$0x3FD9]  }
0x89: {  	s3 =	sld [smem:$0x3FFE];
	_ =	sdelay $0x1  }
0x8a: {  	s1 =	srdreg.scid  }
0x8b: {  	s0 =	sand.u32 $0x1, s1  }
0x8c: {  	s15 =	sshll.u32 s0, $0xA;
	s2 =	sadd.s32 s3, s2  }
0x8d: {  	s2 =	sadd.s32 s2, s15  }
0x8e: {  	[smem:$0x3FC1] =	sst s2  }
0x8f: {  	_ = 	snop  }
0x90: {  	s2 =	sld [smem:$0x3FD0];
	_ =	sdelay $0x2  }
0x91: {  	s16 =	simm.s32 $0xB;
	s4 =	simm.s32 $0x10  }
0x92: {  	[smem:s4], [sflag:s16] =	dma.local [hbm:s2], $0x1  }
0x93: {  	_ =	swait.eq [sflag:s16], $0x1  }
0x94: {  	[sflag:s16] =	ssyncset.done $0x0  }
0x95: {  	[sflag:s16] =	ssyncadd.s32 $0xFFFFFFFF  }
0x96: {  	s17 =	sld [smem:$0x10];
	(tm) =	ssettm $0x1  }
0x97: {  	s18 =	sld [smem:$0x3FFB];
	_ =	sdelay $0x3  }
0x98: {  	_ =	strace s18  }
0x99: {  	s2 =	sld [smem:$0x3FFC];
	_ =	sdelay $0x3  }
0x9a: {  	_ =	strace s2  }
0x9b: {  	s2 =	sld [smem:$0x3FFD];
	_ =	sdelay $0x3  }
0x9c: {  	_ =	strace s2  }
0x9d: {  	_ =	strace $0x8FFFFFFF  }
0x9e: {  	s19 =	sld [smem:$0x3FDB];
	_ =	sdelay $0x1  }
0x9f: {  	s20 =	simm.s32 $_scs_section_size  }
0xa0: {  	s5 =	simm.s32 $_size__tile_overlayer_lowered;
	s6 =	simm.s32 $_tile_overlayer_lowered  }
0xa1: {  	s7 =	simm.s32 $0x1BFF;
	s21 =	sshll.u32 s6, $0x1;
	s4 =	sadd.s32 s20, s19  }
0xa2: {  	s22 =	simm.s32 $0x0;
	s5 =	sshll.u32 s5, $0x1;
	s6 =	sadd.s32 s21, s4  }
0xa3: {  	[timem:s22], [sflag:s7] =	dma.local [hbm:s6], s5  }
0xa4: {  	_ =	swait.ge [sflag:s7], s5  }
0xa5: {  	s5 =	ssub.s32 $0x0, s5;
	[sflag:s7] =	ssyncset.done $0x0  }
0xa6: {  	[sflag:s7] =	ssyncadd.s32 s5;
	_ =	sdelay $0x1  }
0xa7: {  	s23 =	simm.s32 $0x1B8B  }
0xa8: {  	_ =	swait.ge [sflag:s23], $0x1  }
0xa9: {  	[sflag:s23] =	ssyncset.done $0x0  }
0xaa: {  	[sflag:s23] =	ssyncadd.s32 $0xFFFFFFFF  }
0xab: {  	s5 =	sld [smem:$0x0]  }
0xac: {  	s6 =	sand.u32 $0xFFFFFFFE, s1  }
0xad: {  	p0 =	sne.s32 s1, s6  }
0xae: {  	s6 =	sshll.u32 @p0 s6, $0xE  }
0xaf: {  	s6 =	sadd.s32 @p0 $0x11B8D, s6;
	s7 =	sshll.u32 @p0 s5, $0x11  }
0xb0: {  	s6 =	sor.u32 @p0 s7, s6  }
0xb1: {  	[sflag:s6] =	ssyncadd.remote.s32 @p0 $0x1;
	_ =	sdelay $0x1  }
0xb2: {  	s6 =	simm.s32 @p0 $0x1B8D  }
0xb3: {  	_ =	swait.eq @p0 [sflag:s6], $0x1  }
0xb4: {  	[sflag:s6] =	ssyncadd.s32 @p0 $0xFFFFFFFF  }
0xb5: {  	s7 =	sshll.u32 @!p0 s1, $0xE  }
0xb6: {  	s7 =	sor.u32 @!p0 $0x4000, s7;
	s6 =	simm.s32 @!p0 $0x1B8D  }
0xb7: {  	s5 =	sshll.u32 @!p0 s5, $0x11;
	s7 =	sadd.s32 @!p0 $0x11B8D, s7;
	_ =	swait.eq @!p0 [sflag:s6], $0x1  }
0xb8: {  	s5 =	sor.u32 @!p0 s5, s7;
	[sflag:s6] =	ssyncadd.s32 @!p0 $0xFFFFFFFF  }
0xb9: {  	s25 =	simm.s32 $0x1B8E;
	s24 =	sld [smem:$0x3FFE];
	[sflag:s5] =	ssyncadd.remote.s32 @!p0 $0x1  }
0xba: {  	s26 =	simm.s32 $execute0_lowered;
	[smem:$0x3FD2] =	sst s25  }
0xbb: {  	s6 =	sshll.u32 s26, $0x1;
	_ =	strace $0x80000049;
	[dreg:$0x1] =	wrdreg $0xFFFFFFFF  }
0xbc: {  	s28 =	simm.s32 $_size_execute0_lowered;
	s4 =	sadd.s32 s4, s6;
	[dreg:$0x0] =	wrdreg $0x0  }
0xbd: {  	s6 =	sshll.u32 s28, $0x1;
	[dreg:$0x2] =	wrdreg s4  }
0xbe: {  	[dreg:$0x3] =	wrdreg s6  }
0xbf: {  	[dreg:$0x4] =	wrdreg $0xC0  }
0xc0: {  	_ =	task [dreg:s22], $0x5FFFF  }
0xc1: {  	[dreg:$0x1] =	wrdreg $0xFFFFFFFF  }
0xc2: {  	[dreg:$0x0] =	wrdreg $0x60  }
0xc3: {  	[dreg:$0x2] =	wrdreg s24  }
0xc4: {  	[dreg:$0x3] =	wrdreg s17  }
0xc5: {  	[dreg:$0x4] =	wrdreg $0x68000  }
0xc6: {  	[dreg:$0x5] =	wrdreg $0xA  }
0xc7: {  	_ =	task.clear_ibuf [dreg:s22], $0x6FFFF;
	_ =	strace $0x90000049  }
0xc8: {  	s29 =	simm.s32 $0xA;
	_ =	strace $0x8000004B  }
0xc9: {  	_ =	swait.ge [sflag:s29], $0x1  }
0xca: {  	[sflag:s29] =	ssyncadd.s32 $0xFFFFFFFF  }
0xcb: {  	_ =	strace $0x9000004B  }
0xcc: {  	_ =	sfence  }
0xcd: {  	s30 =	sld [smem:$0x0];
	_ =	sdelay $0x2  }
0xce: {  	s31 =	sshll.u32 s1, $0xD;
	s1 =	sshrl.u32 s1, $0x2  }
0xcf: {  	s4 =	sand.u32 $0x4000, s31;
	s1 =	sadd.s32 s1, s30  }
0xd0: {  	s0 =	sor.u32 s4, s0;
	s1 =	sshll.u32 s1, $0x11  }
0xd1: {  	s0 =	sor.u32 s1, s0  }
0xd2: {  	s0 =	sadd.s32 $0x8F2B, s0  }
0xd3: {  	[sflag:s0] =	ssyncadd.remote.s32 $0x1  }
0xd4: {  	_ =	sfence.sel $0xFFFF  }
0xd5: {  	[dreg:$0x0] =	wrdreg $0xFFFFFFFF;
	(pc) =	sbr.abs _section_cstart, $3  }
0xd6: {  	[dreg:$0x1] =	wrdreg $0xFFFFFFFF  }
0xd7: {  	_ =	task.clear_ibuf [dreg:s22], $0x2FFFF;
	_ =	strace $0x9FFFFFFF  }
0xd8: {  	(tm) =	ssettm $0x7FFFFFFF  }
0xd9: {  	_ =	shalt  }
tec
execute0_lowered:
.L_overlay_start_1:
0x0: {  	(tag) =	ssettag $0x1  }
0x1: {  	s7 =	rddreg [dreg:$0x0]  }
0x2: {  	s0 =	srdreg.scid;
	s2 =	rddreg [dreg:$0x1]  }
0x3: {  	s3 =	rddreg [dreg:$0x2];
	s4 =	simm.s32 $0x0;
	s6 =	sand.u32 $0x1, s0  }
0x4: {  	s13 =	simm.s32 $0x80;
	s0 =	stileid.u32;
	s8 =	smul.u32 $0x140000, s6  }
0x5: {  	s14 =	simm.s32 $0x0;
	[smem:$0x7FF] =	sst s4;
	s9 =	smul.u32 $0x14000, s0  }
0x6: {  	s1 =	sshll.u32 s6, $0x4;
	s29 =	smul.u32 $0x50000, s0;
	s6 =	ssub.s32 $0x2, s6  }
0x7: {  	s31 =	sshll.u32 s0, $0x6;
	s1 =	sor.u32 s0, s1;
	s30 =	sshrl.u32 s6, $0x1  }
0x8: {  	s5 =	smul.u32 $0x500, s1;
	s1 =	rddreg [dreg:$0x3];
	_ =	strace $0x8000004A  }
0x9: {  	s8 =	sadd.s32 s9, s8;
	s9 =	sshrl.u32 s29, $0x2;
	s11 =	ssub.s32 s6, s30  }
0xa: {  	s6 =	sor.u32 $0x1C01, s31;
	s8 =	sshrl.u32 s8, $0x3;
	s12 =	sadd.s32 s9, s3  }
0xb: {  	s9 =	smax.u32 s11, $0x1;
	s11 =	simm.s32 $0x1;
	s10 =	sadd.s32 s5, s7  }
0xc: {  	s5 =	sadd.s32 $0xC800, s7;
	s8 =	sadd.s32 s8, s7;
	s7 =	sadd.s32 $0x2800, s10  }
0xd: {  	s8 =	sadd.s32 $0xF000, s8;
	s10 =	sshrl.u32 s12, $0x3;
	s12 =	simm.s32 $0x2800  }
.LBB2_1:
0xe: {  	[spmem:s10], [sflag:s6] =	dma.local [hbm:s5], $0x2800  }
0xf: {  	_ =	swait.ge [sflag:s11], $0x2800  }
0x10: {  	[sflag:s11] =	ssyncset.done $0x0  }
0x11: {  	[sflag:s11] =	ssyncadd.s32 $0xFFFFD800  }
0x12: {  	[tilespmem:s12], [sflag:$0x1] =	stream.linear.gather [hbm4b:s2+s4], $0x4000, $0x38;
	[tilespmem:$0x1A800] =	vst v63  }
0x13: {  	_ =	swait.ge [sflag:s11], $0x4000  }
0x14: {  	[sflag:s11] =	ssyncset.done $0x0  }
0x15: {  	[sflag:s11] =	ssyncadd.s32 $0xFFFFC000  }
0x16: {  	[tilespmem:s4], [sflag:$0x1] =	stream.linear.gather [hbm4b:s7+s4], $0x2780, $0x38;
	[tilespmem:$0x1A800] =	vst v63  }
0x17: {  	_ =	swait.ge [sflag:s11], $0x2780  }
0x18: {  	[sflag:s11] =	ssyncset.done $0x0  }
0x19: {  	[sflag:s11] =	ssyncadd.s32 $0xFFFFD880  }
0x1a: {  	s15 =	simm.s32 $0x0;
	[bflag:$0x0] =	sbarrier.arrive $0xFFFF  }
0x1b: {  	[spmem:s3] =	stream.indirect.scatter.add.f32 [tilespmem:s12], [sflag:$0x1], $0x80, s15, s13, $0xb8;
	[tilespmem:$0x1A800] =	vst v63  }
0x1c: {  	_ =	swait.ge [sflag:s11], $0x4000  }
0x1d: {  	s15 =	simm.s32 $0x200;
	[sflag:s11] =	ssyncset.done $0x0  }
.LBB2_2:
0x1e: {  	s16 =	sshra.s32 s15, $0x2;
	[sflag:s11] =	ssyncadd.s32 $0xFFFFC000;
	p0 =	sne.s32 s15, $0x9C00  }
0x1f: {  	[spmem:s3] =	stream.indirect.scatter.add.f32 [tilespmem:s12], [sflag:$0x1], $0x80, s16, s13, $0xb8;
	[tilespmem:$0x1A800] =	vst v63  }
.Ltmp0:
0x20: {  	_ = 	snop;
	(pc) =	sbr.rel @p0 .LBB2_2-.Ltmp0, $4  }
0x21: {  	_ = 	snop  }
0x22: {  	s15 =	sadd.s32 $0x200, s15  }
0x23: {  	_ =	swait.ge [sflag:s11], $0x4000  }
0x24: {  	[sflag:s11] =	ssyncset.done $0x0  }
0x25: {  	s14 =	sadd.s32 $0x1, s14  }
0x26: {  	[sflag:s11] =	ssyncadd.s32 $0xFFFFC000;
	p0 =	sne.s32 s14, s9  }
.Ltmp1:
0x27: {  	[bflag:$0x0] =	sbarrier.arrive $0xFFFF;
	(pc) =	sbr.rel @p0 .LBB2_1-.Ltmp1, $4  }
0x28: {  	[hbm:s8], [sflag:s6] =	dma.local [spmem:s10], $0x2800  }
0x29: {  	_ =	swait.ge [sflag:s11], $0x2800  }
0x2a: {  	[sflag:s11] =	ssyncset.done $0x0  }
0x2b: {  	[sflag:s11] =	ssyncadd.s32 $0xFFFFD800  }
0x2c: {  	_ =	sfence.sel $0x180000  }
0x2d: {  	[bflag:$0x0] =	sbarrier.arrive $0xFFFF  }
0x2e: {  	p0 =	sne.s32 s0, $0x0;
	_ =	strace $0x9000004A  }
0x2f: {  	s0 =	sadd.s32 @!p0 $0x100000, s1;
	[bflag:$0x2] =	sbarrier.arrive $0xFFFF  }
0x30: {  	[sflag:s0] =	ssyncadd.tile.s32 @!p0 $0x1;
	_ =	shalt  }
.Lfunc_end2:
_tile_overlayer_lowered:
.L_overlay_start_2:
0x31: {  	(tag) =	ssettag $0x2  }
0x32: {  	s0 =	rddreg [dreg:$0x0];
	s2 =	stileid.u32  }
0x33: {  	s1 =	rddreg [dreg:$0x1];
	p0 =	sne.s32 s2, $0x0  }
0x34: {  	s3 =	rddreg [dreg:$0x2];
	[bflag:$0x3] =	sbarrier.arrive $0xFFFF;
	s2 =	simm.s32 @!p0 $0x1C01  }
0x35: {  	[timem:s3], [sflag:s2] =	dma.local @!p0 [hbm:s0], s1  }
0x36: {  	s0 =	simm.s32 @!p0 $0x1  }
0x37: {  	_ =	swait.ge @!p0 [sflag:s0], s1  }
0x38: {  	s1 =	ssub.s32 @!p0 $0x0, s1;
	[sflag:s0] =	ssyncset.done @!p0 $0x0  }
0x39: {  	[sflag:s0] =	ssyncadd.s32 @!p0 s1  }
0x3a: {  	[bflag:$0x3] =	sbarrier.arrive $0xFFFF  }
0x3b: {  	_ =	shalt  }

</sc_bundles>
